<compile_context>
chip_gen: v7x
topology: tpu7x:2x2x1
jax: 0.10.2.dev20260603
libtpu: 0.0.44.dev20260713+nightly
codegen_flags: <defaults>
</compile_context>

<pallas_src>
import jax
import jax.numpy as jnp
from jax import lax
from jax.experimental import pallas as pl
from jax.experimental.pallas import tpu as pltpu
from jax.experimental.pallas import tpu_sc as plsc

EMB = 64
SEQ = 200
SCALE = 8.0

NC = 2
NS = 16
NW = NC * NS
LANES = 16
NREG = EMB // LANES

BATCH = 4096
B_PER_W = BATCH // NW
G = 2
NG = B_PER_W // G


def _body(src_hbm, tok_hbm, pos_hbm, out_hbm,
          ix0, ix1, ib0, ib1, ob0, ob1, pos_v,
          si0, si1, sg0, sg1, ss0, ss1):
    wid = lax.axis_index("s") * NC + lax.axis_index("c")
    row0 = wid * B_PER_W

    pltpu.sync_copy(pos_hbm, pos_v)

    ixs = (ix0, ix1)
    ibs = (ib0, ib1)
    obs = (ob0, ob1)
    si = (si0, si1)
    sg = (sg0, sg1)
    ss = (ss0, ss1)

    def issue_idx(g, b):
        for j in range(G):
            pltpu.async_copy(src_hbm.at[row0 + g * G + j], ixs[b].at[j], si[b])

    def drain_idx(g, b):
        for j in range(G):
            pltpu.make_async_copy(
                src_hbm.at[row0 + g * G + j], ixs[b].at[j], si[b]).wait()

    def issue_gather(g, b):
        del g
        for j in range(G):
            pltpu.async_copy(
                tok_hbm.at[ixs[b].at[j]], ibs[b].at[j], sg[b])

    def drain_gather(g, b):
        del g
        for j in range(G):
            pltpu.make_async_copy(
                tok_hbm.at[ixs[b].at[j]], ibs[b].at[j], sg[b]).wait()

    def issue_scatter(g, b):
        pltpu.async_copy(obs[b], out_hbm.at[pl.ds(row0 + g * G, G)], ss[b])

    def drain_scatter(g, b):
        pltpu.make_async_copy(
            obs[b], out_hbm.at[pl.ds(row0 + g * G, G)], ss[b]).wait()

    def compute(b):
        ib, ob = ibs[b], obs[b]

        def row(r, carry):
            for e in range(NREG):
                pv = pos_v[r, pl.ds(e * LANES, LANES)]
                for j in range(G):
                    tv = ib[j, r, pl.ds(e * LANES, LANES)]
                    ob[j, r, pl.ds(e * LANES, LANES)] = tv * SCALE + pv
            return carry

        lax.fori_loop(0, SEQ, row, 0)

    issue_idx(0, 0)
    issue_idx(1, 1)
    drain_idx(0, 0)
    issue_gather(0, 0)

    def outer(i, carry):
        for b in range(2):
            g = i * 2 + b
            drain_gather(g, b)

            @pl.when(g + 2 < NG)
            def _():
                issue_idx(g + 2, b)

            bo = 1 - b

            @pl.when(g + 1 < NG)
            def _():
                drain_idx(g + 1, bo)
                issue_gather(g + 1, bo)

            @pl.when(g >= 2)
            def _():
                drain_scatter(g - 2, b)

            compute(b)
            issue_scatter(g, b)
        return carry

    lax.fori_loop(0, NG // 2, outer, 0)
    drain_scatter(NG - 2, 0)
    drain_scatter(NG - 1, 1)


@jax.jit
def _emb_lookup(src, token_table, pos_table):
    fn = pl.kernel(
        _body,
        out_type=jax.ShapeDtypeStruct((BATCH, SEQ, EMB), jnp.float32),
        mesh=plsc.VectorSubcoreMesh(core_axis_name="c", subcore_axis_name="s"),
        compiler_params=pltpu.CompilerParams(use_tc_tiling_on_sc=False),
        scratch_types=[
            pltpu.VMEM((G, SEQ), jnp.int32),
            pltpu.VMEM((G, SEQ), jnp.int32),
            pltpu.VMEM((G, SEQ, EMB), jnp.float32),
            pltpu.VMEM((G, SEQ, EMB), jnp.float32),
            pltpu.VMEM((G, SEQ, EMB), jnp.float32),
            pltpu.VMEM((G, SEQ, EMB), jnp.float32),
            pltpu.VMEM((SEQ, EMB), jnp.float32),
            pltpu.SemaphoreType.DMA,
            pltpu.SemaphoreType.DMA,
            pltpu.SemaphoreType.DMA,
            pltpu.SemaphoreType.DMA,
            pltpu.SemaphoreType.DMA,
            pltpu.SemaphoreType.DMA,
        ],
    )
    return fn(src, token_table, pos_table)


def kernel(src, tgt, token_table, pos_table):
    del tgt
    return _emb_lookup(src, token_table, pos_table)

# --- scband reference (transcript-rebuilt; emitter-appended) ---
"""Pipeline reference for scband-encoder-19164144075151 (READ-ONLY COPY).

The authoritative reference and input builder live on the scoring server;
editing this copy changes nothing except your own understanding.
"""

import jax, jax.numpy as jnp
import numpy as np

VOCAB = 1000000
MAX_SEQ = 200
EMB = 64
BATCH = 4096
SEQ = 200

def setup_inputs(seed: int = 0) -> dict:
    key = jax.random.key(seed)
    k1, k2, k3, k4 = jax.random.split(key, 4)
    src = jax.random.randint(k1, (BATCH, SEQ), 0, VOCAB, dtype=jnp.int64 if jax.config.jax_enable_x64 else jnp.int32).astype(jnp.int32)
    tgt = jax.random.randint(k2, (BATCH, SEQ), 0, VOCAB, dtype=jnp.int64 if jax.config.jax_enable_x64 else jnp.int32).astype(jnp.int32)
    # Learned parameters of TransformerEmbedding: token table + positional table
    token_table = jax.random.normal(k3, (VOCAB, EMB), dtype=jnp.float32) * 0.02
    pos_table = jax.random.normal(k4, (MAX_SEQ, EMB), dtype=jnp.float32) * 0.02
    return {"src": src, "tgt": tgt, "token_table": token_table, "pos_table": pos_table}

def reference(src, tgt, token_table, pos_table):
    # Encoder.forward: src_emb = self.embedding(src)
    # TransformerEmbedding = token embedding (scaled) + positional embedding
    seq_len = src.shape[1]
    tok = jnp.take(token_table, src, axis=0)  # [B, S, E] gather
    tok = tok * jnp.sqrt(jnp.asarray(EMB, dtype=jnp.float32))
    pos = pos_table[:seq_len][None, :, :]      # [1, S, E]
    src_emb = tok + pos
    return src_emb

if __name__ == "__main__":
    import jax
    _d = setup_inputs()
    print(jax.jit(kernel)(*tuple(_d.values())))

</pallas_src>

<mosaic_0001>
#map = affine_map<(d0, d1) -> (0, 0)>
#map1 = affine_map<(d0, d1) -> (0, 0, 0)>
module attributes {stable_mosaic.version = 14 : i64} {
  func.func @_body(%arg0: i32, %arg1: i32, %arg2: memref<4096x200xi32, #tpu.memory_space<hbm>>, %arg3: memref<1000000x64xf32, #tpu.memory_space<hbm>>, %arg4: memref<200x64xf32, #tpu.memory_space<hbm>>, %arg5: memref<4096x200x64xf32, #tpu.memory_space<hbm>>, %arg6: memref<2x200xi32, #tpu.memory_space<vmem>>, %arg7: memref<2x200xi32, #tpu.memory_space<vmem>>, %arg8: memref<2x200x64xf32, #tpu.memory_space<vmem>>, %arg9: memref<2x200x64xf32, #tpu.memory_space<vmem>>, %arg10: memref<2x200x64xf32, #tpu.memory_space<vmem>>, %arg11: memref<2x200x64xf32, #tpu.memory_space<vmem>>, %arg12: memref<200x64xf32, #tpu.memory_space<vmem>>, %arg13: memref<!tpu.dma_semaphore, #tpu.memory_space<semaphore_mem>>, %arg14: memref<!tpu.dma_semaphore, #tpu.memory_space<semaphore_mem>>, %arg15: memref<!tpu.dma_semaphore, #tpu.memory_space<semaphore_mem>>, %arg16: memref<!tpu.dma_semaphore, #tpu.memory_space<semaphore_mem>>, %arg17: memref<!tpu.dma_semaphore, #tpu.memory_space<semaphore_mem>>, %arg18: memref<!tpu.dma_semaphore, #tpu.memory_space<semaphore_mem>>) attributes {dimension_semantics = [#tpu.dimension_semantics<core_parallel>, #tpu.dimension_semantics<subcore_parallel>], iteration_bounds = array<i64: 2, 16>, scalar_prefetch = 0 : i64, scratch_operands = 13 : i64, tpu.core_type = #tpu.core_type<sc_vector_subcore>, window_params = [{transform_indices = #map}, {transform_indices = #map}, {transform_indices = #map}, {transform_indices = #map1}]} {
    %mul3A = arith.constant 2 : i32
    %mul3A_0 = arith.muli %arg1, %mul3A : i32
    %add3A = arith.addi %mul3A_0, %arg0 : i32
    %mul3A_1 = arith.constant 128 : i32
    %mul3A_2 = arith.muli %add3A, %mul3A_1 : i32
    "tpu.region"() ({
      %run_scoped3A = tpu.sem_alloc : memref<!tpu.dma_semaphore, #tpu.memory_space<semaphore_mem>>
      tpu.enqueue_dma source(%arg4 : memref<200x64xf32, #tpu.memory_space<hbm>>) target(%arg12 : memref<200x64xf32, #tpu.memory_space<vmem>>) target_semaphore(%run_scoped3A : memref<!tpu.dma_semaphore, #tpu.memory_space<semaphore_mem>>)
      tpu.wait_dma2 semaphore(%run_scoped3A : memref<!tpu.dma_semaphore, #tpu.memory_space<semaphore_mem>>) src(%arg4 : memref<200x64xf32, #tpu.memory_space<hbm>>) dst(%arg12 : memref<200x64xf32, #tpu.memory_space<vmem>>)
      tpu.yield
    }) : () -> ()
    %add3A_3 = arith.constant 0 : i32
    %add3A_4 = arith.addi %mul3A_2, %add3A_3 : i32
    %add3A_5 = arith.constant 0 : i32
    %add3A_6 = arith.addi %add3A_4, %add3A_5 : i32
    %dma_start3A = arith.constant 0 : i32
    %dma_start3A_7 = arith.constant 0 : i32
    %dma_start3A_8 = tpu.memref_slice %arg6[%dma_start3A, %dma_start3A_7] : memref<2x200xi32, #tpu.memory_space<vmem>> -> memref<1x200xi32, #tpu.memory_space<vmem>>
    %dma_start3A_9 = tpu.memref_squeeze %dma_start3A_8 : memref<1x200xi32, #tpu.memory_space<vmem>> -> memref<200xi32, #tpu.memory_space<vmem>>
    %dma_start3A_10 = arith.constant 0 : i32
    %dma_start3A_11 = tpu.memref_slice %arg2[%add3A_6, %dma_start3A_10] : memref<4096x200xi32, #tpu.memory_space<hbm>> -> memref<1x200xi32, #tpu.memory_space<hbm>>
    %dma_start3A_12 = tpu.memref_squeeze %dma_start3A_11 : memref<1x200xi32, #tpu.memory_space<hbm>> -> memref<200xi32, #tpu.memory_space<hbm>>
    %dma_start3A_13 = arith.constant 0 : i32
    %dma_start3A_14 = tpu.memref_slice %arg6[%dma_start3A, %dma_start3A_13] : memref<2x200xi32, #tpu.memory_space<vmem>> -> memref<1x200xi32, #tpu.memory_space<vmem>>
    %dma_start3A_15 = tpu.memref_squeeze %dma_start3A_14 : memref<1x200xi32, #tpu.memory_space<vmem>> -> memref<200xi32, #tpu.memory_space<vmem>>
    %dma_start3A_16 = arith.constant 0 : i32
    %dma_start3A_17 = tpu.memref_slice %arg2[%add3A_6, %dma_start3A_16] : memref<4096x200xi32, #tpu.memory_space<hbm>> -> memref<1x200xi32, #tpu.memory_space<hbm>>
    %dma_start3A_18 = tpu.memref_squeeze %dma_start3A_17 : memref<1x200xi32, #tpu.memory_space<hbm>> -> memref<200xi32, #tpu.memory_space<hbm>>
    tpu.enqueue_dma source(%dma_start3A_18 : memref<200xi32, #tpu.memory_space<hbm>>) target(%dma_start3A_15 : memref<200xi32, #tpu.memory_space<vmem>>) target_semaphore(%arg13 : memref<!tpu.dma_semaphore, #tpu.memory_space<semaphore_mem>>)
    %add3A_19 = arith.constant 0 : i32
    %add3A_20 = arith.addi %mul3A_2, %add3A_19 : i32
    %add3A_21 = arith.constant 1 : i32
    %add3A_22 = arith.addi %add3A_20, %add3A_21 : i32
    %dma_start3A_23 = arith.constant 1 : i32
    %dma_start3A_24 = arith.constant 0 : i32
    %dma_start3A_25 = tpu.memref_slice %arg6[%dma_start3A_23, %dma_start3A_24] : memref<2x200xi32, #tpu.memory_space<vmem>> -> memref<1x200xi32, #tpu.memory_space<vmem>>
    %dma_start3A_26 = tpu.memref_squeeze %dma_start3A_25 : memref<1x200xi32, #tpu.memory_space<vmem>> -> memref<200xi32, #tpu.memory_space<vmem>>
    %dma_start3A_27 = arith.constant 0 : i32
    %dma_start3A_28 = tpu.memref_slice %arg2[%add3A_22, %dma_start3A_27] : memref<4096x200xi32, #tpu.memory_space<hbm>> -> memref<1x200xi32, #tpu.memory_space<hbm>>
    %dma_start3A_29 = tpu.memref_squeeze %dma_start3A_28 : memref<1x200xi32, #tpu.memory_space<hbm>> -> memref<200xi32, #tpu.memory_space<hbm>>
    %dma_start3A_30 = arith.constant 0 : i32
    %dma_start3A_31 = tpu.memref_slice %arg6[%dma_start3A_23, %dma_start3A_30] : memref<2x200xi32, #tpu.memory_space<vmem>> -> memref<1x200xi32, #tpu.memory_space<vmem>>
    %dma_start3A_32 = tpu.memref_squeeze %dma_start3A_31 : memref<1x200xi32, #tpu.memory_space<vmem>> -> memref<200xi32, #tpu.memory_space<vmem>>
    %dma_start3A_33 = arith.constant 0 : i32
    %dma_start3A_34 = tpu.memref_slice %arg2[%add3A_22, %dma_start3A_33] : memref<4096x200xi32, #tpu.memory_space<hbm>> -> memref<1x200xi32, #tpu.memory_space<hbm>>
    %dma_start3A_35 = tpu.memref_squeeze %dma_start3A_34 : memref<1x200xi32, #tpu.memory_space<hbm>> -> memref<200xi32, #tpu.memory_space<hbm>>
    tpu.enqueue_dma source(%dma_start3A_35 : memref<200xi32, #tpu.memory_space<hbm>>) target(%dma_start3A_32 : memref<200xi32, #tpu.memory_space<vmem>>) target_semaphore(%arg13 : memref<!tpu.dma_semaphore, #tpu.memory_space<semaphore_mem>>)
    %add3A_36 = arith.constant 2 : i32
    %add3A_37 = arith.addi %mul3A_2, %add3A_36 : i32
    %add3A_38 = arith.constant 0 : i32
    %add3A_39 = arith.addi %add3A_37, %add3A_38 : i32
    %dma_start3A_40 = arith.constant 0 : i32
    %dma_start3A_41 = arith.constant 0 : i32
    %dma_start3A_42 = tpu.memref_slice %arg7[%dma_start3A_40, %dma_start3A_41] : memref<2x200xi32, #tpu.memory_space<vmem>> -> memref<1x200xi32, #tpu.memory_space<vmem>>
    %dma_start3A_43 = tpu.memref_squeeze %dma_start3A_42 : memref<1x200xi32, #tpu.memory_space<vmem>> -> memref<200xi32, #tpu.memory_space<vmem>>
    %dma_start3A_44 = arith.constant 0 : i32
    %dma_start3A_45 = tpu.memref_slice %arg2[%add3A_39, %dma_start3A_44] : memref<4096x200xi32, #tpu.memory_space<hbm>> -> memref<1x200xi32, #tpu.memory_space<hbm>>
    %dma_start3A_46 = tpu.memref_squeeze %dma_start3A_45 : memref<1x200xi32, #tpu.memory_space<hbm>> -> memref<200xi32, #tpu.memory_space<hbm>>
    %dma_start3A_47 = arith.constant 0 : i32
    %dma_start3A_48 = tpu.memref_slice %arg7[%dma_start3A_40, %dma_start3A_47] : memref<2x200xi32, #tpu.memory_space<vmem>> -> memref<1x200xi32, #tpu.memory_space<vmem>>
    %dma_start3A_49 = tpu.memref_squeeze %dma_start3A_48 : memref<1x200xi32, #tpu.memory_space<vmem>> -> memref<200xi32, #tpu.memory_space<vmem>>
    %dma_start3A_50 = arith.constant 0 : i32
    %dma_start3A_51 = tpu.memref_slice %arg2[%add3A_39, %dma_start3A_50] : memref<4096x200xi32, #tpu.memory_space<hbm>> -> memref<1x200xi32, #tpu.memory_space<hbm>>
    %dma_start3A_52 = tpu.memref_squeeze %dma_start3A_51 : memref<1x200xi32, #tpu.memory_space<hbm>> -> memref<200xi32, #tpu.memory_space<hbm>>
    tpu.enqueue_dma source(%dma_start3A_52 : memref<200xi32, #tpu.memory_space<hbm>>) target(%dma_start3A_49 : memref<200xi32, #tpu.memory_space<vmem>>) target_semaphore(%arg14 : memref<!tpu.dma_semaphore, #tpu.memory_space<semaphore_mem>>)
    %add3A_53 = arith.constant 2 : i32
    %add3A_54 = arith.addi %mul3A_2, %add3A_53 : i32
    %add3A_55 = arith.constant 1 : i32
    %add3A_56 = arith.addi %add3A_54, %add3A_55 : i32
    %dma_start3A_57 = arith.constant 1 : i32
    %dma_start3A_58 = arith.constant 0 : i32
    %dma_start3A_59 = tpu.memref_slice %arg7[%dma_start3A_57, %dma_start3A_58] : memref<2x200xi32, #tpu.memory_space<vmem>> -> memref<1x200xi32, #tpu.memory_space<vmem>>
    %dma_start3A_60 = tpu.memref_squeeze %dma_start3A_59 : memref<1x200xi32, #tpu.memory_space<vmem>> -> memref<200xi32, #tpu.memory_space<vmem>>
    %dma_start3A_61 = arith.constant 0 : i32
    %dma_start3A_62 = tpu.memref_slice %arg2[%add3A_56, %dma_start3A_61] : memref<4096x200xi32, #tpu.memory_space<hbm>> -> memref<1x200xi32, #tpu.memory_space<hbm>>
    %dma_start3A_63 = tpu.memref_squeeze %dma_start3A_62 : memref<1x200xi32, #tpu.memory_space<hbm>> -> memref<200xi32, #tpu.memory_space<hbm>>
    %dma_start3A_64 = arith.constant 0 : i32
    %dma_start3A_65 = tpu.memref_slice %arg7[%dma_start3A_57, %dma_start3A_64] : memref<2x200xi32, #tpu.memory_space<vmem>> -> memref<1x200xi32, #tpu.memory_space<vmem>>
    %dma_start3A_66 = tpu.memref_squeeze %dma_start3A_65 : memref<1x200xi32, #tpu.memory_space<vmem>> -> memref<200xi32, #tpu.memory_space<vmem>>
    %dma_start3A_67 = arith.constant 0 : i32
    %dma_start3A_68 = tpu.memref_slice %arg2[%add3A_56, %dma_start3A_67] : memref<4096x200xi32, #tpu.memory_space<hbm>> -> memref<1x200xi32, #tpu.memory_space<hbm>>
    %dma_start3A_69 = tpu.memref_squeeze %dma_start3A_68 : memref<1x200xi32, #tpu.memory_space<hbm>> -> memref<200xi32, #tpu.memory_space<hbm>>
    tpu.enqueue_dma source(%dma_start3A_69 : memref<200xi32, #tpu.memory_space<hbm>>) target(%dma_start3A_66 : memref<200xi32, #tpu.memory_space<vmem>>) target_semaphore(%arg14 : memref<!tpu.dma_semaphore, #tpu.memory_space<semaphore_mem>>)
    %add3A_70 = arith.constant 0 : i32
    %add3A_71 = arith.addi %mul3A_2, %add3A_70 : i32
    %add3A_72 = arith.constant 0 : i32
    %add3A_73 = arith.addi %add3A_71, %add3A_72 : i32
    %dma_wait3A = arith.constant 0 : i32
    %dma_wait3A_74 = arith.constant 0 : i32
    %dma_wait3A_75 = tpu.memref_slice %arg6[%dma_wait3A, %dma_wait3A_74] : memref<2x200xi32, #tpu.memory_space<vmem>> -> memref<1x200xi32, #tpu.memory_space<vmem>>
    %dma_wait3A_76 = tpu.memref_squeeze %dma_wait3A_75 : memref<1x200xi32, #tpu.memory_space<vmem>> -> memref<200xi32, #tpu.memory_space<vmem>>
    %dma_wait3A_77 = arith.constant 0 : i32
    %dma_wait3A_78 = tpu.memref_slice %arg2[%add3A_73, %dma_wait3A_77] : memref<4096x200xi32, #tpu.memory_space<hbm>> -> memref<1x200xi32, #tpu.memory_space<hbm>>
    %dma_wait3A_79 = tpu.memref_squeeze %dma_wait3A_78 : memref<1x200xi32, #tpu.memory_space<hbm>> -> memref<200xi32, #tpu.memory_space<hbm>>
    %dma_wait3A_80 = arith.constant 0 : i32
    %dma_wait3A_81 = tpu.memref_slice %arg6[%dma_wait3A, %dma_wait3A_80] : memref<2x200xi32, #tpu.memory_space<vmem>> -> memref<1x200xi32, #tpu.memory_space<vmem>>
    %dma_wait3A_82 = tpu.memref_squeeze %dma_wait3A_81 : memref<1x200xi32, #tpu.memory_space<vmem>> -> memref<200xi32, #tpu.memory_space<vmem>>
    %dma_wait3A_83 = arith.constant 0 : i32
    %dma_wait3A_84 = tpu.memref_slice %arg2[%add3A_73, %dma_wait3A_83] : memref<4096x200xi32, #tpu.memory_space<hbm>> -> memref<1x200xi32, #tpu.memory_space<hbm>>
    %dma_wait3A_85 = tpu.memref_squeeze %dma_wait3A_84 : memref<1x200xi32, #tpu.memory_space<hbm>> -> memref<200xi32, #tpu.memory_space<hbm>>
    tpu.wait_dma2 semaphore(%arg13 : memref<!tpu.dma_semaphore, #tpu.memory_space<semaphore_mem>>) src(%dma_wait3A_85 : memref<200xi32, #tpu.memory_space<hbm>>) dst(%dma_wait3A_82 : memref<200xi32, #tpu.memory_space<vmem>>)
    %add3A_86 = arith.constant 0 : i32
    %add3A_87 = arith.addi %mul3A_2, %add3A_86 : i32
    %add3A_88 = arith.constant 1 : i32
    %add3A_89 = arith.addi %add3A_87, %add3A_88 : i32
    %dma_wait3A_90 = arith.constant 1 : i32
    %dma_wait3A_91 = arith.constant 0 : i32
    %dma_wait3A_92 = tpu.memref_slice %arg6[%dma_wait3A_90, %dma_wait3A_91] : memref<2x200xi32, #tpu.memory_space<vmem>> -> memref<1x200xi32, #tpu.memory_space<vmem>>
    %dma_wait3A_93 = tpu.memref_squeeze %dma_wait3A_92 : memref<1x200xi32, #tpu.memory_space<vmem>> -> memref<200xi32, #tpu.memory_space<vmem>>
    %dma_wait3A_94 = arith.constant 0 : i32
    %dma_wait3A_95 = tpu.memref_slice %arg2[%add3A_89, %dma_wait3A_94] : memref<4096x200xi32, #tpu.memory_space<hbm>> -> memref<1x200xi32, #tpu.memory_space<hbm>>
    %dma_wait3A_96 = tpu.memref_squeeze %dma_wait3A_95 : memref<1x200xi32, #tpu.memory_space<hbm>> -> memref<200xi32, #tpu.memory_space<hbm>>
    %dma_wait3A_97 = arith.constant 0 : i32
    %dma_wait3A_98 = tpu.memref_slice %arg6[%dma_wait3A_90, %dma_wait3A_97] : memref<2x200xi32, #tpu.memory_space<vmem>> -> memref<1x200xi32, #tpu.memory_space<vmem>>
    %dma_wait3A_99 = tpu.memref_squeeze %dma_wait3A_98 : memref<1x200xi32, #tpu.memory_space<vmem>> -> memref<200xi32, #tpu.memory_space<vmem>>
    %dma_wait3A_100 = arith.constant 0 : i32
    %dma_wait3A_101 = tpu.memref_slice %arg2[%add3A_89, %dma_wait3A_100] : memref<4096x200xi32, #tpu.memory_space<hbm>> -> memref<1x200xi32, #tpu.memory_space<hbm>>
    %dma_wait3A_102 = tpu.memref_squeeze %dma_wait3A_101 : memref<1x200xi32, #tpu.memory_space<hbm>> -> memref<200xi32, #tpu.memory_space<hbm>>
    tpu.wait_dma2 semaphore(%arg13 : memref<!tpu.dma_semaphore, #tpu.memory_space<semaphore_mem>>) src(%dma_wait3A_102 : memref<200xi32, #tpu.memory_space<hbm>>) dst(%dma_wait3A_99 : memref<200xi32, #tpu.memory_space<vmem>>)
    %dma_start3A_103 = arith.constant 0 : i32
    %dma_start3A_104 = arith.constant 0 : i32
    %dma_start3A_105 = arith.constant 0 : i32
    %dma_start3A_106 = arith.constant 0 : i32
    %dma_start3A_107 = tpu.memref_slice %arg8[%dma_start3A_104, %dma_start3A_105, %dma_start3A_106] : memref<2x200x64xf32, #tpu.memory_space<vmem>> -> memref<1x200x64xf32, #tpu.memory_space<vmem>>
    %dma_start3A_108 = tpu.memref_squeeze %dma_start3A_107 : memref<1x200x64xf32, #tpu.memory_space<vmem>> -> memref<200x64xf32, #tpu.memory_space<vmem>>
    %dma_start3A_109 = arith.constant 0 : i32
    %dma_start3A_110 = tpu.memref_slice %arg6[%dma_start3A_103, %dma_start3A_109] : memref<2x200xi32, #tpu.memory_space<vmem>> -> memref<1x200xi32, #tpu.memory_space<vmem>>
    %dma_start3A_111 = tpu.memref_squeeze %dma_start3A_110 : memref<1x200xi32, #tpu.memory_space<vmem>> -> memref<200xi32, #tpu.memory_space<vmem>>
    %dma_start3A_112 = arith.constant 0 : i32
    %dma_start3A_113 = arith.constant 0 : i32
    %dma_start3A_114 = tpu.memref_slice %arg3[%dma_start3A_112, %dma_start3A_113] : memref<1000000x64xf32, #tpu.memory_space<hbm>> -> memref<1000000x64xf32, #tpu.memory_space<hbm>>
    tpu.enqueue_indirect_dma source(%dma_start3A_114 : memref<1000000x64xf32, #tpu.memory_space<hbm>>) target(%dma_start3A_108 : memref<200x64xf32, #tpu.memory_space<vmem>>) offsets(%dma_start3A_111 : memref<200xi32, #tpu.memory_space<vmem>>) semaphore(%arg15 : memref<!tpu.dma_semaphore, #tpu.memory_space<semaphore_mem>>)
    %dma_start3A_115 = arith.constant 1 : i32
    %dma_start3A_116 = arith.constant 1 : i32
    %dma_start3A_117 = arith.constant 0 : i32
    %dma_start3A_118 = arith.constant 0 : i32
    %dma_start3A_119 = tpu.memref_slice %arg8[%dma_start3A_116, %dma_start3A_117, %dma_start3A_118] : memref<2x200x64xf32, #tpu.memory_space<vmem>> -> memref<1x200x64xf32, #tpu.memory_space<vmem>>
    %dma_start3A_120 = tpu.memref_squeeze %dma_start3A_119 : memref<1x200x64xf32, #tpu.memory_space<vmem>> -> memref<200x64xf32, #tpu.memory_space<vmem>>
    %dma_start3A_121 = arith.constant 0 : i32
    %dma_start3A_122 = tpu.memref_slice %arg6[%dma_start3A_115, %dma_start3A_121] : memref<2x200xi32, #tpu.memory_space<vmem>> -> memref<1x200xi32, #tpu.memory_space<vmem>>
    %dma_start3A_123 = tpu.memref_squeeze %dma_start3A_122 : memref<1x200xi32, #tpu.memory_space<vmem>> -> memref<200xi32, #tpu.memory_space<vmem>>
    %dma_start3A_124 = arith.constant 0 : i32
    %dma_start3A_125 = arith.constant 0 : i32
    %dma_start3A_126 = tpu.memref_slice %arg3[%dma_start3A_124, %dma_start3A_125] : memref<1000000x64xf32, #tpu.memory_space<hbm>> -> memref<1000000x64xf32, #tpu.memory_space<hbm>>
    tpu.enqueue_indirect_dma source(%dma_start3A_126 : memref<1000000x64xf32, #tpu.memory_space<hbm>>) target(%dma_start3A_120 : memref<200x64xf32, #tpu.memory_space<vmem>>) offsets(%dma_start3A_123 : memref<200xi32, #tpu.memory_space<vmem>>) semaphore(%arg15 : memref<!tpu.dma_semaphore, #tpu.memory_space<semaphore_mem>>)
    %scan3A = arith.constant 0 : i32
    %scan3A_127 = arith.constant 0 : i32
    %scan3A_128 = arith.constant 32 : i32
    %scan3A_129 = arith.addi %scan3A_127, %scan3A_128 : i32
    %scan3A_130 = arith.constant 1 : i32
    scf.for %scan3A_148 = %scan3A_127 to %scan3A_129 step %scan3A_130  : i32 {
      %mul3A_149 = arith.constant 2 : i32
      %mul3A_150 = arith.muli %scan3A_148, %mul3A_149 : i32
      %add3A_151 = arith.constant 0 : i32
      %add3A_152 = arith.addi %mul3A_150, %add3A_151 : i32
      %dma_wait3A_153 = arith.constant 0 : i32
      %dma_wait3A_154 = arith.constant 0 : i32
      %dma_wait3A_155 = arith.constant 0 : i32
      %dma_wait3A_156 = arith.constant 0 : i32
      %dma_wait3A_157 = tpu.memref_slice %arg8[%dma_wait3A_154, %dma_wait3A_155, %dma_wait3A_156] : memref<2x200x64xf32, #tpu.memory_space<vmem>> -> memref<1x200x64xf32, #tpu.memory_space<vmem>>
      %dma_wait3A_158 = tpu.memref_squeeze %dma_wait3A_157 : memref<1x200x64xf32, #tpu.memory_space<vmem>> -> memref<200x64xf32, #tpu.memory_space<vmem>>
      %dma_wait3A_159 = arith.constant 0 : i32
      %dma_wait3A_160 = tpu.memref_slice %arg6[%dma_wait3A_153, %dma_wait3A_159] : memref<2x200xi32, #tpu.memory_space<vmem>> -> memref<1x200xi32, #tpu.memory_space<vmem>>
      %dma_wait3A_161 = tpu.memref_squeeze %dma_wait3A_160 : memref<1x200xi32, #tpu.memory_space<vmem>> -> memref<200xi32, #tpu.memory_space<vmem>>
      %dma_wait3A_162 = arith.constant 0 : i32
      %dma_wait3A_163 = arith.constant 0 : i32
      %dma_wait3A_164 = tpu.memref_slice %arg3[%dma_wait3A_162, %dma_wait3A_163] : memref<1000000x64xf32, #tpu.memory_space<hbm>> -> memref<1000000x64xf32, #tpu.memory_space<hbm>>
      tpu.wait_indirect_dma semaphore(%arg15 : memref<!tpu.dma_semaphore, #tpu.memory_space<semaphore_mem>>) src(%dma_wait3A_164 : memref<1000000x64xf32, #tpu.memory_space<hbm>>) dst(%dma_wait3A_158 : memref<200x64xf32, #tpu.memory_space<vmem>>)
      %dma_wait3A_165 = arith.constant 1 : i32
      %dma_wait3A_166 = arith.constant 1 : i32
      %dma_wait3A_167 = arith.constant 0 : i32
      %dma_wait3A_168 = arith.constant 0 : i32
      %dma_wait3A_169 = tpu.memref_slice %arg8[%dma_wait3A_166, %dma_wait3A_167, %dma_wait3A_168] : memref<2x200x64xf32, #tpu.memory_space<vmem>> -> memref<1x200x64xf32, #tpu.memory_space<vmem>>
      %dma_wait3A_170 = tpu.memref_squeeze %dma_wait3A_169 : memref<1x200x64xf32, #tpu.memory_space<vmem>> -> memref<200x64xf32, #tpu.memory_space<vmem>>
      %dma_wait3A_171 = arith.constant 0 : i32
      %dma_wait3A_172 = tpu.memref_slice %arg6[%dma_wait3A_165, %dma_wait3A_171] : memref<2x200xi32, #tpu.memory_space<vmem>> -> memref<1x200xi32, #tpu.memory_space<vmem>>
      %dma_wait3A_173 = tpu.memref_squeeze %dma_wait3A_172 : memref<1x200xi32, #tpu.memory_space<vmem>> -> memref<200xi32, #tpu.memory_space<vmem>>
      %dma_wait3A_174 = arith.constant 0 : i32
      %dma_wait3A_175 = arith.constant 0 : i32
      %dma_wait3A_176 = tpu.memref_slice %arg3[%dma_wait3A_174, %dma_wait3A_175] : memref<1000000x64xf32, #tpu.memory_space<hbm>> -> memref<1000000x64xf32, #tpu.memory_space<hbm>>
      tpu.wait_indirect_dma semaphore(%arg15 : memref<!tpu.dma_semaphore, #tpu.memory_space<semaphore_mem>>) src(%dma_wait3A_176 : memref<1000000x64xf32, #tpu.memory_space<hbm>>) dst(%dma_wait3A_170 : memref<200x64xf32, #tpu.memory_space<vmem>>)
      %add3A_177 = arith.constant 2 : i32
      %add3A_178 = arith.addi %add3A_152, %add3A_177 : i32
      %lt3A = arith.constant 64 : i32
      %lt3A_179 = arith.cmpi slt, %add3A_178, %lt3A : i32
      %convert_element_type3A = arith.extui %lt3A_179 : i1 to i32
      %cond3A = arith.constant 0 : i32
      %cond3A_180 = arith.cmpi ne, %convert_element_type3A, %cond3A : i32
      scf.if %cond3A_180 {
        %add3A_269 = arith.constant 2 : i32
        %add3A_270 = arith.addi %add3A_152, %add3A_269 : i32
        %mul3A_271 = arith.constant 2 : i32
        %mul3A_272 = arith.muli %add3A_270, %mul3A_271 : i32
        %add3A_273 = arith.addi %mul3A_2, %mul3A_272 : i32
        %add3A_274 = arith.constant 0 : i32
        %add3A_275 = arith.addi %add3A_273, %add3A_274 : i32
        %dma_start3A_276 = arith.constant 0 : i32
        %dma_start3A_277 = arith.constant 0 : i32
        %dma_start3A_278 = tpu.memref_slice %arg6[%dma_start3A_276, %dma_start3A_277] : memref<2x200xi32, #tpu.memory_space<vmem>> -> memref<1x200xi32, #tpu.memory_space<vmem>>
        %dma_start3A_279 = tpu.memref_squeeze %dma_start3A_278 : memref<1x200xi32, #tpu.memory_space<vmem>> -> memref<200xi32, #tpu.memory_space<vmem>>
        %dma_start3A_280 = arith.constant 0 : i32
        %dma_start3A_281 = tpu.memref_slice %arg2[%add3A_275, %dma_start3A_280] : memref<4096x200xi32, #tpu.memory_space<hbm>> -> memref<1x200xi32, #tpu.memory_space<hbm>>
        %dma_start3A_282 = tpu.memref_squeeze %dma_start3A_281 : memref<1x200xi32, #tpu.memory_space<hbm>> -> memref<200xi32, #tpu.memory_space<hbm>>
        %dma_start3A_283 = arith.constant 0 : i32
        %dma_start3A_284 = tpu.memref_slice %arg6[%dma_start3A_276, %dma_start3A_283] : memref<2x200xi32, #tpu.memory_space<vmem>> -> memref<1x200xi32, #tpu.memory_space<vmem>>
        %dma_start3A_285 = tpu.memref_squeeze %dma_start3A_284 : memref<1x200xi32, #tpu.memory_space<vmem>> -> memref<200xi32, #tpu.memory_space<vmem>>
        %dma_start3A_286 = arith.constant 0 : i32
        %dma_start3A_287 = tpu.memref_slice %arg2[%add3A_275, %dma_start3A_286] : memref<4096x200xi32, #tpu.memory_space<hbm>> -> memref<1x200xi32, #tpu.memory_space<hbm>>
        %dma_start3A_288 = tpu.memref_squeeze %dma_start3A_287 : memref<1x200xi32, #tpu.memory_space<hbm>> -> memref<200xi32, #tpu.memory_space<hbm>>
        tpu.enqueue_dma source(%dma_start3A_288 : memref<200xi32, #tpu.memory_space<hbm>>) target(%dma_start3A_285 : memref<200xi32, #tpu.memory_space<vmem>>) target_semaphore(%arg13 : memref<!tpu.dma_semaphore, #tpu.memory_space<semaphore_mem>>)
        %mul3A_289 = arith.constant 2 : i32
        %mul3A_290 = arith.muli %add3A_270, %mul3A_289 : i32
        %add3A_291 = arith.addi %mul3A_2, %mul3A_290 : i32
        %add3A_292 = arith.constant 1 : i32
        %add3A_293 = arith.addi %add3A_291, %add3A_292 : i32
        %dma_start3A_294 = arith.constant 1 : i32
        %dma_start3A_295 = arith.constant 0 : i32
        %dma_start3A_296 = tpu.memref_slice %arg6[%dma_start3A_294, %dma_start3A_295] : memref<2x200xi32, #tpu.memory_space<vmem>> -> memref<1x200xi32, #tpu.memory_space<vmem>>
        %dma_start3A_297 = tpu.memref_squeeze %dma_start3A_296 : memref<1x200xi32, #tpu.memory_space<vmem>> -> memref<200xi32, #tpu.memory_space<vmem>>
        %dma_start3A_298 = arith.constant 0 : i32
        %dma_start3A_299 = tpu.memref_slice %arg2[%add3A_293, %dma_start3A_298] : memref<4096x200xi32, #tpu.memory_space<hbm>> -> memref<1x200xi32, #tpu.memory_space<hbm>>
        %dma_start3A_300 = tpu.memref_squeeze %dma_start3A_299 : memref<1x200xi32, #tpu.memory_space<hbm>> -> memref<200xi32, #tpu.memory_space<hbm>>
        %dma_start3A_301 = arith.constant 0 : i32
        %dma_start3A_302 = tpu.memref_slice %arg6[%dma_start3A_294, %dma_start3A_301] : memref<2x200xi32, #tpu.memory_space<vmem>> -> memref<1x200xi32, #tpu.memory_space<vmem>>
        %dma_start3A_303 = tpu.memref_squeeze %dma_start3A_302 : memref<1x200xi32, #tpu.memory_space<vmem>> -> memref<200xi32, #tpu.memory_space<vmem>>
        %dma_start3A_304 = arith.constant 0 : i32
        %dma_start3A_305 = tpu.memref_slice %arg2[%add3A_293, %dma_start3A_304] : memref<4096x200xi32, #tpu.memory_space<hbm>> -> memref<1x200xi32, #tpu.memory_space<hbm>>
        %dma_start3A_306 = tpu.memref_squeeze %dma_start3A_305 : memref<1x200xi32, #tpu.memory_space<hbm>> -> memref<200xi32, #tpu.memory_space<hbm>>
        tpu.enqueue_dma source(%dma_start3A_306 : memref<200xi32, #tpu.memory_space<hbm>>) target(%dma_start3A_303 : memref<200xi32, #tpu.memory_space<vmem>>) target_semaphore(%arg13 : memref<!tpu.dma_semaphore, #tpu.memory_space<semaphore_mem>>)
      } else {
      }
      %add3A_181 = arith.constant 1 : i32
      %add3A_182 = arith.addi %add3A_152, %add3A_181 : i32
      %lt3A_183 = arith.constant 64 : i32
      %lt3A_184 = arith.cmpi slt, %add3A_182, %lt3A_183 : i32
      %convert_element_type3A_185 = arith.extui %lt3A_184 : i1 to i32
      %cond3A_186 = arith.constant 0 : i32
      %cond3A_187 = arith.cmpi ne, %convert_element_type3A_185, %cond3A_186 : i32
      scf.if %cond3A_187 {
        %add3A_269 = arith.constant 1 : i32
        %add3A_270 = arith.addi %add3A_152, %add3A_269 : i32
        %mul3A_271 = arith.constant 2 : i32
        %mul3A_272 = arith.muli %add3A_270, %mul3A_271 : i32
        %add3A_273 = arith.addi %mul3A_2, %mul3A_272 : i32
        %add3A_274 = arith.constant 0 : i32
        %add3A_275 = arith.addi %add3A_273, %add3A_274 : i32
        %dma_wait3A_276 = arith.constant 0 : i32
        %dma_wait3A_277 = arith.constant 0 : i32
        %dma_wait3A_278 = tpu.memref_slice %arg7[%dma_wait3A_276, %dma_wait3A_277] : memref<2x200xi32, #tpu.memory_space<vmem>> -> memref<1x200xi32, #tpu.memory_space<vmem>>
        %dma_wait3A_279 = tpu.memref_squeeze %dma_wait3A_278 : memref<1x200xi32, #tpu.memory_space<vmem>> -> memref<200xi32, #tpu.memory_space<vmem>>
        %dma_wait3A_280 = arith.constant 0 : i32
        %dma_wait3A_281 = tpu.memref_slice %arg2[%add3A_275, %dma_wait3A_280] : memref<4096x200xi32, #tpu.memory_space<hbm>> -> memref<1x200xi32, #tpu.memory_space<hbm>>
        %dma_wait3A_282 = tpu.memref_squeeze %dma_wait3A_281 : memref<1x200xi32, #tpu.memory_space<hbm>> -> memref<200xi32, #tpu.memory_space<hbm>>
        %dma_wait3A_283 = arith.constant 0 : i32
        %dma_wait3A_284 = tpu.memref_slice %arg7[%dma_wait3A_276, %dma_wait3A_283] : memref<2x200xi32, #tpu.memory_space<vmem>> -> memref<1x200xi32, #tpu.memory_space<vmem>>
        %dma_wait3A_285 = tpu.memref_squeeze %dma_wait3A_284 : memref<1x200xi32, #tpu.memory_space<vmem>> -> memref<200xi32, #tpu.memory_space<vmem>>
        %dma_wait3A_286 = arith.constant 0 : i32
        %dma_wait3A_287 = tpu.memref_slice %arg2[%add3A_275, %dma_wait3A_286] : memref<4096x200xi32, #tpu.memory_space<hbm>> -> memref<1x200xi32, #tpu.memory_space<hbm>>
        %dma_wait3A_288 = tpu.memref_squeeze %dma_wait3A_287 : memref<1x200xi32, #tpu.memory_space<hbm>> -> memref<200xi32, #tpu.memory_space<hbm>>
        tpu.wait_dma2 semaphore(%arg14 : memref<!tpu.dma_semaphore, #tpu.memory_space<semaphore_mem>>) src(%dma_wait3A_288 : memref<200xi32, #tpu.memory_space<hbm>>) dst(%dma_wait3A_285 : memref<200xi32, #tpu.memory_space<vmem>>)
        %mul3A_289 = arith.constant 2 : i32
        %mul3A_290 = arith.muli %add3A_270, %mul3A_289 : i32
        %add3A_291 = arith.addi %mul3A_2, %mul3A_290 : i32
        %add3A_292 = arith.constant 1 : i32
        %add3A_293 = arith.addi %add3A_291, %add3A_292 : i32
        %dma_wait3A_294 = arith.constant 1 : i32
        %dma_wait3A_295 = arith.constant 0 : i32
        %dma_wait3A_296 = tpu.memref_slice %arg7[%dma_wait3A_294, %dma_wait3A_295] : memref<2x200xi32, #tpu.memory_space<vmem>> -> memref<1x200xi32, #tpu.memory_space<vmem>>
        %dma_wait3A_297 = tpu.memref_squeeze %dma_wait3A_296 : memref<1x200xi32, #tpu.memory_space<vmem>> -> memref<200xi32, #tpu.memory_space<vmem>>
        %dma_wait3A_298 = arith.constant 0 : i32
        %dma_wait3A_299 = tpu.memref_slice %arg2[%add3A_293, %dma_wait3A_298] : memref<4096x200xi32, #tpu.memory_space<hbm>> -> memref<1x200xi32, #tpu.memory_space<hbm>>
        %dma_wait3A_300 = tpu.memref_squeeze %dma_wait3A_299 : memref<1x200xi32, #tpu.memory_space<hbm>> -> memref<200xi32, #tpu.memory_space<hbm>>
        %dma_wait3A_301 = arith.constant 0 : i32
        %dma_wait3A_302 = tpu.memref_slice %arg7[%dma_wait3A_294, %dma_wait3A_301] : memref<2x200xi32, #tpu.memory_space<vmem>> -> memref<1x200xi32, #tpu.memory_space<vmem>>
        %dma_wait3A_303 = tpu.memref_squeeze %dma_wait3A_302 : memref<1x200xi32, #tpu.memory_space<vmem>> -> memref<200xi32, #tpu.memory_space<vmem>>
        %dma_wait3A_304 = arith.constant 0 : i32
        %dma_wait3A_305 = tpu.memref_slice %arg2[%add3A_293, %dma_wait3A_304] : memref<4096x200xi32, #tpu.memory_space<hbm>> -> memref<1x200xi32, #tpu.memory_space<hbm>>
        %dma_wait3A_306 = tpu.memref_squeeze %dma_wait3A_305 : memref<1x200xi32, #tpu.memory_space<hbm>> -> memref<200xi32, #tpu.memory_space<hbm>>
        tpu.wait_dma2 semaphore(%arg14 : memref<!tpu.dma_semaphore, #tpu.memory_space<semaphore_mem>>) src(%dma_wait3A_306 : memref<200xi32, #tpu.memory_space<hbm>>) dst(%dma_wait3A_303 : memref<200xi32, #tpu.memory_space<vmem>>)
        %add3A_307 = arith.constant 1 : i32
        %add3A_308 = arith.addi %add3A_152, %add3A_307 : i32
        %dma_start3A_309 = arith.constant 0 : i32
        %dma_start3A_310 = arith.constant 0 : i32
        %dma_start3A_311 = arith.constant 0 : i32
        %dma_start3A_312 = arith.constant 0 : i32
        %dma_start3A_313 = tpu.memref_slice %arg9[%dma_start3A_310, %dma_start3A_311, %dma_start3A_312] : memref<2x200x64xf32, #tpu.memory_space<vmem>> -> memref<1x200x64xf32, #tpu.memory_space<vmem>>
        %dma_start3A_314 = tpu.memref_squeeze %dma_start3A_313 : memref<1x200x64xf32, #tpu.memory_space<vmem>> -> memref<200x64xf32, #tpu.memory_space<vmem>>
        %dma_start3A_315 = arith.constant 0 : i32
        %dma_start3A_316 = tpu.memref_slice %arg7[%dma_start3A_309, %dma_start3A_315] : memref<2x200xi32, #tpu.memory_space<vmem>> -> memref<1x200xi32, #tpu.memory_space<vmem>>
        %dma_start3A_317 = tpu.memref_squeeze %dma_start3A_316 : memref<1x200xi32, #tpu.memory_space<vmem>> -> memref<200xi32, #tpu.memory_space<vmem>>
        %dma_start3A_318 = arith.constant 0 : i32
        %dma_start3A_319 = arith.constant 0 : i32
        %dma_start3A_320 = tpu.memref_slice %arg3[%dma_start3A_318, %dma_start3A_319] : memref<1000000x64xf32, #tpu.memory_space<hbm>> -> memref<1000000x64xf32, #tpu.memory_space<hbm>>
        tpu.enqueue_indirect_dma source(%dma_start3A_320 : memref<1000000x64xf32, #tpu.memory_space<hbm>>) target(%dma_start3A_314 : memref<200x64xf32, #tpu.memory_space<vmem>>) offsets(%dma_start3A_317 : memref<200xi32, #tpu.memory_space<vmem>>) semaphore(%arg16 : memref<!tpu.dma_semaphore, #tpu.memory_space<semaphore_mem>>)
        %dma_start3A_321 = arith.constant 1 : i32
        %dma_start3A_322 = arith.constant 1 : i32
        %dma_start3A_323 = arith.constant 0 : i32
        %dma_start3A_324 = arith.constant 0 : i32
        %dma_start3A_325 = tpu.memref_slice %arg9[%dma_start3A_322, %dma_start3A_323, %dma_start3A_324] : memref<2x200x64xf32, #tpu.memory_space<vmem>> -> memref<1x200x64xf32, #tpu.memory_space<vmem>>
        %dma_start3A_326 = tpu.memref_squeeze %dma_start3A_325 : memref<1x200x64xf32, #tpu.memory_space<vmem>> -> memref<200x64xf32, #tpu.memory_space<vmem>>
        %dma_start3A_327 = arith.constant 0 : i32
        %dma_start3A_328 = tpu.memref_slice %arg7[%dma_start3A_321, %dma_start3A_327] : memref<2x200xi32, #tpu.memory_space<vmem>> -> memref<1x200xi32, #tpu.memory_space<vmem>>
        %dma_start3A_329 = tpu.memref_squeeze %dma_start3A_328 : memref<1x200xi32, #tpu.memory_space<vmem>> -> memref<200xi32, #tpu.memory_space<vmem>>
        %dma_start3A_330 = arith.constant 0 : i32
        %dma_start3A_331 = arith.constant 0 : i32
        %dma_start3A_332 = tpu.memref_slice %arg3[%dma_start3A_330, %dma_start3A_331] : memref<1000000x64xf32, #tpu.memory_space<hbm>> -> memref<1000000x64xf32, #tpu.memory_space<hbm>>
        tpu.enqueue_indirect_dma source(%dma_start3A_332 : memref<1000000x64xf32, #tpu.memory_space<hbm>>) target(%dma_start3A_326 : memref<200x64xf32, #tpu.memory_space<vmem>>) offsets(%dma_start3A_329 : memref<200xi32, #tpu.memory_space<vmem>>) semaphore(%arg16 : memref<!tpu.dma_semaphore, #tpu.memory_space<semaphore_mem>>)
      } else {
      }
      %ge3A = arith.constant 2 : i32
      %ge3A_188 = arith.cmpi sge, %add3A_152, %ge3A : i32
      %convert_element_type3A_189 = arith.extui %ge3A_188 : i1 to i32
      %cond3A_190 = arith.constant 0 : i32
      %cond3A_191 = arith.cmpi ne, %convert_element_type3A_189, %cond3A_190 : i32
      scf.if %cond3A_191 {
        %sub3A = arith.constant 2 : i32
        %sub3A_269 = arith.subi %add3A_152, %sub3A : i32
        %mul3A_270 = arith.constant 2 : i32
        %mul3A_271 = arith.muli %sub3A_269, %mul3A_270 : i32
        %add3A_272 = arith.addi %mul3A_2, %mul3A_271 : i32
        %dma_wait3A_273 = arith.constant 0 : i32
        %dma_wait3A_274 = arith.constant 0 : i32
        %dma_wait3A_275 = tpu.memref_slice %arg5[%add3A_272, %dma_wait3A_273, %dma_wait3A_274] : memref<4096x200x64xf32, #tpu.memory_space<hbm>> -> memref<2x200x64xf32, #tpu.memory_space<hbm>>
        %dma_wait3A_276 = arith.constant 0 : i32
        %dma_wait3A_277 = arith.constant 0 : i32
        %dma_wait3A_278 = tpu.memref_slice %arg5[%add3A_272, %dma_wait3A_276, %dma_wait3A_277] : memref<4096x200x64xf32, #tpu.memory_space<hbm>> -> memref<2x200x64xf32, #tpu.memory_space<hbm>>
        tpu.wait_dma2 semaphore(%arg17 : memref<!tpu.dma_semaphore, #tpu.memory_space<semaphore_mem>>) src(%arg10 : memref<2x200x64xf32, #tpu.memory_space<vmem>>) dst(%dma_wait3A_278 : memref<2x200x64xf32, #tpu.memory_space<hbm>>)
      } else {
      }
      %scan3A_192 = arith.constant 0 : i32
      %scan3A_193 = arith.constant 0 : i32
      %scan3A_194 = arith.constant 200 : i32
      %scan3A_195 = arith.addi %scan3A_193, %scan3A_194 : i32
      %scan3A_196 = arith.constant 1 : i32
      scf.for %scan3A_269 = %scan3A_193 to %scan3A_195 step %scan3A_196  : i32 {
        %get3A = arith.index_cast %scan3A_269 : i32 to index
        %get3A_270 = arith.constant 0 : index
        %get3A_271 = tpu.vector_load %arg12[%get3A, %get3A_270] {strides = array<i32>} : memref<200x64xf32, #tpu.memory_space<vmem>>, vector<1x16xf32>,
        %get3A_272 = vector.shape_cast %get3A_271 : vector<1x16xf32> to vector<16xf32>
        %get3A_273 = arith.constant 0 : i32
        %get3A_274 = arith.index_cast %get3A_273 : i32 to index
        %get3A_275 = arith.index_cast %scan3A_269 : i32 to index
        %get3A_276 = arith.constant 0 : index
        %get3A_277 = tpu.vector_load %arg8[%get3A_274, %get3A_275, %get3A_276] {strides = array<i32>} : memref<2x200x64xf32, #tpu.memory_space<vmem>>, vector<1x1x16xf32>,
        %get3A_278 = vector.shape_cast %get3A_277 : vector<1x1x16xf32> to vector<16xf32>
        %mul3A_279 = arith.constant 8.000000e+00 : f32
        %mul3A_280 = vector.broadcast %mul3A_279 : f32 to vector<16xf32>
        %mul3A_281 = arith.mulf %get3A_278, %mul3A_280 : vector<16xf32>
        %add3A_282 = arith.addf %mul3A_281, %get3A_272 : vector<16xf32>
        %swap3A = arith.constant 0 : i32
        %swap3A_283 = arith.index_cast %swap3A : i32 to index
        %swap3A_284 = arith.index_cast %scan3A_269 : i32 to index
        %swap3A_285 = arith.constant 0 : index
        %swap3A_286 = tpu.vector_load %arg10[%swap3A_283, %swap3A_284, %swap3A_285] {strides = array<i32>} : memref<2x200x64xf32, #tpu.memory_space<vmem>>, vector<1x1x16xf32>,
        %swap3A_287 = vector.shape_cast %swap3A_286 : vector<1x1x16xf32> to vector<16xf32>
        %swap3A_288 = vector.shape_cast %add3A_282 : vector<16xf32> to vector<1x1x16xf32>
        tpu.vector_store %arg10[%swap3A_283, %swap3A_284, %swap3A_285], %swap3A_288 {strides = array<i32>} : memref<2x200x64xf32, #tpu.memory_space<vmem>>, vector<1x1x16xf32>,
        %get3A_289 = arith.constant 1 : i32
        %get3A_290 = arith.index_cast %get3A_289 : i32 to index
        %get3A_291 = arith.index_cast %scan3A_269 : i32 to index
        %get3A_292 = arith.constant 0 : index
        %get3A_293 = tpu.vector_load %arg8[%get3A_290, %get3A_291, %get3A_292] {strides = array<i32>} : memref<2x200x64xf32, #tpu.memory_space<vmem>>, vector<1x1x16xf32>,
        %get3A_294 = vector.shape_cast %get3A_293 : vector<1x1x16xf32> to vector<16xf32>
        %mul3A_295 = arith.constant 8.000000e+00 : f32
        %mul3A_296 = vector.broadcast %mul3A_295 : f32 to vector<16xf32>
        %mul3A_297 = arith.mulf %get3A_294, %mul3A_296 : vector<16xf32>
        %add3A_298 = arith.addf %mul3A_297, %get3A_272 : vector<16xf32>
        %swap3A_299 = arith.constant 1 : i32
        %swap3A_300 = arith.index_cast %swap3A_299 : i32 to index
        %swap3A_301 = arith.index_cast %scan3A_269 : i32 to index
        %swap3A_302 = arith.constant 0 : index
        %swap3A_303 = tpu.vector_load %arg10[%swap3A_300, %swap3A_301, %swap3A_302] {strides = array<i32>} : memref<2x200x64xf32, #tpu.memory_space<vmem>>, vector<1x1x16xf32>,
        %swap3A_304 = vector.shape_cast %swap3A_303 : vector<1x1x16xf32> to vector<16xf32>
        %swap3A_305 = vector.shape_cast %add3A_298 : vector<16xf32> to vector<1x1x16xf32>
        tpu.vector_store %arg10[%swap3A_300, %swap3A_301, %swap3A_302], %swap3A_305 {strides = array<i32>} : memref<2x200x64xf32, #tpu.memory_space<vmem>>, vector<1x1x16xf32>,
        %get3A_306 = arith.index_cast %scan3A_269 : i32 to index
        %get3A_307 = arith.constant 16 : index
        %get3A_308 = tpu.vector_load %arg12[%get3A_306, %get3A_307] {strides = array<i32>} : memref<200x64xf32, #tpu.memory_space<vmem>>, vector<1x16xf32>,
        %get3A_309 = vector.shape_cast %get3A_308 : vector<1x16xf32> to vector<16xf32>
        %get3A_310 = arith.constant 0 : i32
        %get3A_311 = arith.index_cast %get3A_310 : i32 to index
        %get3A_312 = arith.index_cast %scan3A_269 : i32 to index
        %get3A_313 = arith.constant 16 : index
        %get3A_314 = tpu.vector_load %arg8[%get3A_311, %get3A_312, %get3A_313] {strides = array<i32>} : memref<2x200x64xf32, #tpu.memory_space<vmem>>, vector<1x1x16xf32>,
        %get3A_315 = vector.shape_cast %get3A_314 : vector<1x1x16xf32> to vector<16xf32>
        %mul3A_316 = arith.constant 8.000000e+00 : f32
        %mul3A_317 = vector.broadcast %mul3A_316 : f32 to vector<16xf32>
        %mul3A_318 = arith.mulf %get3A_315, %mul3A_317 : vector<16xf32>
        %add3A_319 = arith.addf %mul3A_318, %get3A_309 : vector<16xf32>
        %swap3A_320 = arith.constant 0 : i32
        %swap3A_321 = arith.index_cast %swap3A_320 : i32 to index
        %swap3A_322 = arith.index_cast %scan3A_269 : i32 to index
        %swap3A_323 = arith.constant 16 : index
        %swap3A_324 = tpu.vector_load %arg10[%swap3A_321, %swap3A_322, %swap3A_323] {strides = array<i32>} : memref<2x200x64xf32, #tpu.memory_space<vmem>>, vector<1x1x16xf32>,
        %swap3A_325 = vector.shape_cast %swap3A_324 : vector<1x1x16xf32> to vector<16xf32>
        %swap3A_326 = vector.shape_cast %add3A_319 : vector<16xf32> to vector<1x1x16xf32>
        tpu.vector_store %arg10[%swap3A_321, %swap3A_322, %swap3A_323], %swap3A_326 {strides = array<i32>} : memref<2x200x64xf32, #tpu.memory_space<vmem>>, vector<1x1x16xf32>,
        %get3A_327 = arith.constant 1 : i32
        %get3A_328 = arith.index_cast %get3A_327 : i32 to index
        %get3A_329 = arith.index_cast %scan3A_269 : i32 to index
        %get3A_330 = arith.constant 16 : index
        %get3A_331 = tpu.vector_load %arg8[%get3A_328, %get3A_329, %get3A_330] {strides = array<i32>} : memref<2x200x64xf32, #tpu.memory_space<vmem>>, vector<1x1x16xf32>,
        %get3A_332 = vector.shape_cast %get3A_331 : vector<1x1x16xf32> to vector<16xf32>
        %mul3A_333 = arith.constant 8.000000e+00 : f32
        %mul3A_334 = vector.broadcast %mul3A_333 : f32 to vector<16xf32>
        %mul3A_335 = arith.mulf %get3A_332, %mul3A_334 : vector<16xf32>
        %add3A_336 = arith.addf %mul3A_335, %get3A_309 : vector<16xf32>
        %swap3A_337 = arith.constant 1 : i32
        %swap3A_338 = arith.index_cast %swap3A_337 : i32 to index
        %swap3A_339 = arith.index_cast %scan3A_269 : i32 to index
        %swap3A_340 = arith.constant 16 : index
        %swap3A_341 = tpu.vector_load %arg10[%swap3A_338, %swap3A_339, %swap3A_340] {strides = array<i32>} : memref<2x200x64xf32, #tpu.memory_space<vmem>>, vector<1x1x16xf32>,
        %swap3A_342 = vector.shape_cast %swap3A_341 : vector<1x1x16xf32> to vector<16xf32>
        %swap3A_343 = vector.shape_cast %add3A_336 : vector<16xf32> to vector<1x1x16xf32>
        tpu.vector_store %arg10[%swap3A_338, %swap3A_339, %swap3A_340], %swap3A_343 {strides = array<i32>} : memref<2x200x64xf32, #tpu.memory_space<vmem>>, vector<1x1x16xf32>,
        %get3A_344 = arith.index_cast %scan3A_269 : i32 to index
        %get3A_345 = arith.constant 32 : index
        %get3A_346 = tpu.vector_load %arg12[%get3A_344, %get3A_345] {strides = array<i32>} : memref<200x64xf32, #tpu.memory_space<vmem>>, vector<1x16xf32>,
        %get3A_347 = vector.shape_cast %get3A_346 : vector<1x16xf32> to vector<16xf32>
        %get3A_348 = arith.constant 0 : i32
        %get3A_349 = arith.index_cast %get3A_348 : i32 to index
        %get3A_350 = arith.index_cast %scan3A_269 : i32 to index
        %get3A_351 = arith.constant 32 : index
        %get3A_352 = tpu.vector_load %arg8[%get3A_349, %get3A_350, %get3A_351] {strides = array<i32>} : memref<2x200x64xf32, #tpu.memory_space<vmem>>, vector<1x1x16xf32>,
        %get3A_353 = vector.shape_cast %get3A_352 : vector<1x1x16xf32> to vector<16xf32>
        %mul3A_354 = arith.constant 8.000000e+00 : f32
        %mul3A_355 = vector.broadcast %mul3A_354 : f32 to vector<16xf32>
        %mul3A_356 = arith.mulf %get3A_353, %mul3A_355 : vector<16xf32>
        %add3A_357 = arith.addf %mul3A_356, %get3A_347 : vector<16xf32>
        %swap3A_358 = arith.constant 0 : i32
        %swap3A_359 = arith.index_cast %swap3A_358 : i32 to index
        %swap3A_360 = arith.index_cast %scan3A_269 : i32 to index
        %swap3A_361 = arith.constant 32 : index
        %swap3A_362 = tpu.vector_load %arg10[%swap3A_359, %swap3A_360, %swap3A_361] {strides = array<i32>} : memref<2x200x64xf32, #tpu.memory_space<vmem>>, vector<1x1x16xf32>,
        %swap3A_363 = vector.shape_cast %swap3A_362 : vector<1x1x16xf32> to vector<16xf32>
        %swap3A_364 = vector.shape_cast %add3A_357 : vector<16xf32> to vector<1x1x16xf32>
        tpu.vector_store %arg10[%swap3A_359, %swap3A_360, %swap3A_361], %swap3A_364 {strides = array<i32>} : memref<2x200x64xf32, #tpu.memory_space<vmem>>, vector<1x1x16xf32>,
        %get3A_365 = arith.constant 1 : i32
        %get3A_366 = arith.index_cast %get3A_365 : i32 to index
        %get3A_367 = arith.index_cast %scan3A_269 : i32 to index
        %get3A_368 = arith.constant 32 : index
        %get3A_369 = tpu.vector_load %arg8[%get3A_366, %get3A_367, %get3A_368] {strides = array<i32>} : memref<2x200x64xf32, #tpu.memory_space<vmem>>, vector<1x1x16xf32>,
        %get3A_370 = vector.shape_cast %get3A_369 : vector<1x1x16xf32> to vector<16xf32>
        %mul3A_371 = arith.constant 8.000000e+00 : f32
        %mul3A_372 = vector.broadcast %mul3A_371 : f32 to vector<16xf32>
        %mul3A_373 = arith.mulf %get3A_370, %mul3A_372 : vector<16xf32>
        %add3A_374 = arith.addf %mul3A_373, %get3A_347 : vector<16xf32>
        %swap3A_375 = arith.constant 1 : i32
        %swap3A_376 = arith.index_cast %swap3A_375 : i32 to index
        %swap3A_377 = arith.index_cast %scan3A_269 : i32 to index
        %swap3A_378 = arith.constant 32 : index
        %swap3A_379 = tpu.vector_load %arg10[%swap3A_376, %swap3A_377, %swap3A_378] {strides = array<i32>} : memref<2x200x64xf32, #tpu.memory_space<vmem>>, vector<1x1x16xf32>,
        %swap3A_380 = vector.shape_cast %swap3A_379 : vector<1x1x16xf32> to vector<16xf32>
        %swap3A_381 = vector.shape_cast %add3A_374 : vector<16xf32> to vector<1x1x16xf32>
        tpu.vector_store %arg10[%swap3A_376, %swap3A_377, %swap3A_378], %swap3A_381 {strides = array<i32>} : memref<2x200x64xf32, #tpu.memory_space<vmem>>, vector<1x1x16xf32>,
        %get3A_382 = arith.index_cast %scan3A_269 : i32 to index
        %get3A_383 = arith.constant 48 : index
        %get3A_384 = tpu.vector_load %arg12[%get3A_382, %get3A_383] {strides = array<i32>} : memref<200x64xf32, #tpu.memory_space<vmem>>, vector<1x16xf32>,
        %get3A_385 = vector.shape_cast %get3A_384 : vector<1x16xf32> to vector<16xf32>
        %get3A_386 = arith.constant 0 : i32
        %get3A_387 = arith.index_cast %get3A_386 : i32 to index
        %get3A_388 = arith.index_cast %scan3A_269 : i32 to index
        %get3A_389 = arith.constant 48 : index
        %get3A_390 = tpu.vector_load %arg8[%get3A_387, %get3A_388, %get3A_389] {strides = array<i32>} : memref<2x200x64xf32, #tpu.memory_space<vmem>>, vector<1x1x16xf32>,
        %get3A_391 = vector.shape_cast %get3A_390 : vector<1x1x16xf32> to vector<16xf32>
        %mul3A_392 = arith.constant 8.000000e+00 : f32
        %mul3A_393 = vector.broadcast %mul3A_392 : f32 to vector<16xf32>
        %mul3A_394 = arith.mulf %get3A_391, %mul3A_393 : vector<16xf32>
        %add3A_395 = arith.addf %mul3A_394, %get3A_385 : vector<16xf32>
        %swap3A_396 = arith.constant 0 : i32
        %swap3A_397 = arith.index_cast %swap3A_396 : i32 to index
        %swap3A_398 = arith.index_cast %scan3A_269 : i32 to index
        %swap3A_399 = arith.constant 48 : index
        %swap3A_400 = tpu.vector_load %arg10[%swap3A_397, %swap3A_398, %swap3A_399] {strides = array<i32>} : memref<2x200x64xf32, #tpu.memory_space<vmem>>, vector<1x1x16xf32>,
        %swap3A_401 = vector.shape_cast %swap3A_400 : vector<1x1x16xf32> to vector<16xf32>
        %swap3A_402 = vector.shape_cast %add3A_395 : vector<16xf32> to vector<1x1x16xf32>
        tpu.vector_store %arg10[%swap3A_397, %swap3A_398, %swap3A_399], %swap3A_402 {strides = array<i32>} : memref<2x200x64xf32, #tpu.memory_space<vmem>>, vector<1x1x16xf32>,
        %get3A_403 = arith.constant 1 : i32
        %get3A_404 = arith.index_cast %get3A_403 : i32 to index
        %get3A_405 = arith.index_cast %scan3A_269 : i32 to index
        %get3A_406 = arith.constant 48 : index
        %get3A_407 = tpu.vector_load %arg8[%get3A_404, %get3A_405, %get3A_406] {strides = array<i32>} : memref<2x200x64xf32, #tpu.memory_space<vmem>>, vector<1x1x16xf32>,
        %get3A_408 = vector.shape_cast %get3A_407 : vector<1x1x16xf32> to vector<16xf32>
        %mul3A_409 = arith.constant 8.000000e+00 : f32
        %mul3A_410 = vector.broadcast %mul3A_409 : f32 to vector<16xf32>
        %mul3A_411 = arith.mulf %get3A_408, %mul3A_410 : vector<16xf32>
        %add3A_412 = arith.addf %mul3A_411, %get3A_385 : vector<16xf32>
        %swap3A_413 = arith.constant 1 : i32
        %swap3A_414 = arith.index_cast %swap3A_413 : i32 to index
        %swap3A_415 = arith.index_cast %scan3A_269 : i32 to index
        %swap3A_416 = arith.constant 48 : index
        %swap3A_417 = tpu.vector_load %arg10[%swap3A_414, %swap3A_415, %swap3A_416] {strides = array<i32>} : memref<2x200x64xf32, #tpu.memory_space<vmem>>, vector<1x1x16xf32>,
        %swap3A_418 = vector.shape_cast %swap3A_417 : vector<1x1x16xf32> to vector<16xf32>
        %swap3A_419 = vector.shape_cast %add3A_412 : vector<16xf32> to vector<1x1x16xf32>
        tpu.vector_store %arg10[%swap3A_414, %swap3A_415, %swap3A_416], %swap3A_419 {strides = array<i32>} : memref<2x200x64xf32, #tpu.memory_space<vmem>>, vector<1x1x16xf32>,
      }
      %scan3A_197 = arith.constant 200 : i32
      %mul3A_198 = arith.constant 2 : i32
      %mul3A_199 = arith.muli %add3A_152, %mul3A_198 : i32
      %add3A_200 = arith.addi %mul3A_2, %mul3A_199 : i32
      %dma_start3A_201 = arith.constant 0 : i32
      %dma_start3A_202 = arith.constant 0 : i32
      %dma_start3A_203 = tpu.memref_slice %arg5[%add3A_200, %dma_start3A_201, %dma_start3A_202] : memref<4096x200x64xf32, #tpu.memory_space<hbm>> -> memref<2x200x64xf32, #tpu.memory_space<hbm>>
      %dma_start3A_204 = arith.constant 0 : i32
      %dma_start3A_205 = arith.constant 0 : i32
      %dma_start3A_206 = tpu.memref_slice %arg5[%add3A_200, %dma_start3A_204, %dma_start3A_205] : memref<4096x200x64xf32, #tpu.memory_space<hbm>> -> memref<2x200x64xf32, #tpu.memory_space<hbm>>
      tpu.enqueue_dma source(%arg10 : memref<2x200x64xf32, #tpu.memory_space<vmem>>) target(%dma_start3A_206 : memref<2x200x64xf32, #tpu.memory_space<hbm>>) target_semaphore(%arg17 : memref<!tpu.dma_semaphore, #tpu.memory_space<semaphore_mem>>)
      %mul3A_207 = arith.constant 2 : i32
      %mul3A_208 = arith.muli %scan3A_148, %mul3A_207 : i32
      %add3A_209 = arith.constant 1 : i32
      %add3A_210 = arith.addi %mul3A_208, %add3A_209 : i32
      %dma_wait3A_211 = arith.constant 0 : i32
      %dma_wait3A_212 = arith.constant 0 : i32
      %dma_wait3A_213 = arith.constant 0 : i32
      %dma_wait3A_214 = arith.constant 0 : i32
      %dma_wait3A_215 = tpu.memref_slice %arg9[%dma_wait3A_212, %dma_wait3A_213, %dma_wait3A_214] : memref<2x200x64xf32, #tpu.memory_space<vmem>> -> memref<1x200x64xf32, #tpu.memory_space<vmem>>
      %dma_wait3A_216 = tpu.memref_squeeze %dma_wait3A_215 : memref<1x200x64xf32, #tpu.memory_space<vmem>> -> memref<200x64xf32, #tpu.memory_space<vmem>>
      %dma_wait3A_217 = arith.constant 0 : i32
      %dma_wait3A_218 = tpu.memref_slice %arg7[%dma_wait3A_211, %dma_wait3A_217] : memref<2x200xi32, #tpu.memory_space<vmem>> -> memref<1x200xi32, #tpu.memory_space<vmem>>
      %dma_wait3A_219 = tpu.memref_squeeze %dma_wait3A_218 : memref<1x200xi32, #tpu.memory_space<vmem>> -> memref<200xi32, #tpu.memory_space<vmem>>
      %dma_wait3A_220 = arith.constant 0 : i32
      %dma_wait3A_221 = arith.constant 0 : i32
      %dma_wait3A_222 = tpu.memref_slice %arg3[%dma_wait3A_220, %dma_wait3A_221] : memref<1000000x64xf32, #tpu.memory_space<hbm>> -> memref<1000000x64xf32, #tpu.memory_space<hbm>>
      tpu.wait_indirect_dma semaphore(%arg16 : memref<!tpu.dma_semaphore, #tpu.memory_space<semaphore_mem>>) src(%dma_wait3A_222 : memref<1000000x64xf32, #tpu.memory_space<hbm>>) dst(%dma_wait3A_216 : memref<200x64xf32, #tpu.memory_space<vmem>>)
      %dma_wait3A_223 = arith.constant 1 : i32
      %dma_wait3A_224 = arith.constant 1 : i32
      %dma_wait3A_225 = arith.constant 0 : i32
      %dma_wait3A_226 = arith.constant 0 : i32
      %dma_wait3A_227 = tpu.memref_slice %arg9[%dma_wait3A_224, %dma_wait3A_225, %dma_wait3A_226] : memref<2x200x64xf32, #tpu.memory_space<vmem>> -> memref<1x200x64xf32, #tpu.memory_space<vmem>>
      %dma_wait3A_228 = tpu.memref_squeeze %dma_wait3A_227 : memref<1x200x64xf32, #tpu.memory_space<vmem>> -> memref<200x64xf32, #tpu.memory_space<vmem>>
      %dma_wait3A_229 = arith.constant 0 : i32
      %dma_wait3A_230 = tpu.memref_slice %arg7[%dma_wait3A_223, %dma_wait3A_229] : memref<2x200xi32, #tpu.memory_space<vmem>> -> memref<1x200xi32, #tpu.memory_space<vmem>>
      %dma_wait3A_231 = tpu.memref_squeeze %dma_wait3A_230 : memref<1x200xi32, #tpu.memory_space<vmem>> -> memref<200xi32, #tpu.memory_space<vmem>>
      %dma_wait3A_232 = arith.constant 0 : i32
      %dma_wait3A_233 = arith.constant 0 : i32
      %dma_wait3A_234 = tpu.memref_slice %arg3[%dma_wait3A_232, %dma_wait3A_233] : memref<1000000x64xf32, #tpu.memory_space<hbm>> -> memref<1000000x64xf32, #tpu.memory_space<hbm>>
      tpu.wait_indirect_dma semaphore(%arg16 : memref<!tpu.dma_semaphore, #tpu.memory_space<semaphore_mem>>) src(%dma_wait3A_234 : memref<1000000x64xf32, #tpu.memory_space<hbm>>) dst(%dma_wait3A_228 : memref<200x64xf32, #tpu.memory_space<vmem>>)
      %add3A_235 = arith.constant 2 : i32
      %add3A_236 = arith.addi %add3A_210, %add3A_235 : i32
      %lt3A_237 = arith.constant 64 : i32
      %lt3A_238 = arith.cmpi slt, %add3A_236, %lt3A_237 : i32
      %convert_element_type3A_239 = arith.extui %lt3A_238 : i1 to i32
      %cond3A_240 = arith.constant 0 : i32
      %cond3A_241 = arith.cmpi ne, %convert_element_type3A_239, %cond3A_240 : i32
      scf.if %cond3A_241 {
        %add3A_269 = arith.constant 2 : i32
        %add3A_270 = arith.addi %add3A_210, %add3A_269 : i32
        %mul3A_271 = arith.constant 2 : i32
        %mul3A_272 = arith.muli %add3A_270, %mul3A_271 : i32
        %add3A_273 = arith.addi %mul3A_2, %mul3A_272 : i32
        %add3A_274 = arith.constant 0 : i32
        %add3A_275 = arith.addi %add3A_273, %add3A_274 : i32
        %dma_start3A_276 = arith.constant 0 : i32
        %dma_start3A_277 = arith.constant 0 : i32
        %dma_start3A_278 = tpu.memref_slice %arg7[%dma_start3A_276, %dma_start3A_277] : memref<2x200xi32, #tpu.memory_space<vmem>> -> memref<1x200xi32, #tpu.memory_space<vmem>>
        %dma_start3A_279 = tpu.memref_squeeze %dma_start3A_278 : memref<1x200xi32, #tpu.memory_space<vmem>> -> memref<200xi32, #tpu.memory_space<vmem>>
        %dma_start3A_280 = arith.constant 0 : i32
        %dma_start3A_281 = tpu.memref_slice %arg2[%add3A_275, %dma_start3A_280] : memref<4096x200xi32, #tpu.memory_space<hbm>> -> memref<1x200xi32, #tpu.memory_space<hbm>>
        %dma_start3A_282 = tpu.memref_squeeze %dma_start3A_281 : memref<1x200xi32, #tpu.memory_space<hbm>> -> memref<200xi32, #tpu.memory_space<hbm>>
        %dma_start3A_283 = arith.constant 0 : i32
        %dma_start3A_284 = tpu.memref_slice %arg7[%dma_start3A_276, %dma_start3A_283] : memref<2x200xi32, #tpu.memory_space<vmem>> -> memref<1x200xi32, #tpu.memory_space<vmem>>
        %dma_start3A_285 = tpu.memref_squeeze %dma_start3A_284 : memref<1x200xi32, #tpu.memory_space<vmem>> -> memref<200xi32, #tpu.memory_space<vmem>>
        %dma_start3A_286 = arith.constant 0 : i32
        %dma_start3A_287 = tpu.memref_slice %arg2[%add3A_275, %dma_start3A_286] : memref<4096x200xi32, #tpu.memory_space<hbm>> -> memref<1x200xi32, #tpu.memory_space<hbm>>
        %dma_start3A_288 = tpu.memref_squeeze %dma_start3A_287 : memref<1x200xi32, #tpu.memory_space<hbm>> -> memref<200xi32, #tpu.memory_space<hbm>>
        tpu.enqueue_dma source(%dma_start3A_288 : memref<200xi32, #tpu.memory_space<hbm>>) target(%dma_start3A_285 : memref<200xi32, #tpu.memory_space<vmem>>) target_semaphore(%arg14 : memref<!tpu.dma_semaphore, #tpu.memory_space<semaphore_mem>>)
        %mul3A_289 = arith.constant 2 : i32
        %mul3A_290 = arith.muli %add3A_270, %mul3A_289 : i32
        %add3A_291 = arith.addi %mul3A_2, %mul3A_290 : i32
        %add3A_292 = arith.constant 1 : i32
        %add3A_293 = arith.addi %add3A_291, %add3A_292 : i32
        %dma_start3A_294 = arith.constant 1 : i32
        %dma_start3A_295 = arith.constant 0 : i32
        %dma_start3A_296 = tpu.memref_slice %arg7[%dma_start3A_294, %dma_start3A_295] : memref<2x200xi32, #tpu.memory_space<vmem>> -> memref<1x200xi32, #tpu.memory_space<vmem>>
        %dma_start3A_297 = tpu.memref_squeeze %dma_start3A_296 : memref<1x200xi32, #tpu.memory_space<vmem>> -> memref<200xi32, #tpu.memory_space<vmem>>
        %dma_start3A_298 = arith.constant 0 : i32
        %dma_start3A_299 = tpu.memref_slice %arg2[%add3A_293, %dma_start3A_298] : memref<4096x200xi32, #tpu.memory_space<hbm>> -> memref<1x200xi32, #tpu.memory_space<hbm>>
        %dma_start3A_300 = tpu.memref_squeeze %dma_start3A_299 : memref<1x200xi32, #tpu.memory_space<hbm>> -> memref<200xi32, #tpu.memory_space<hbm>>
        %dma_start3A_301 = arith.constant 0 : i32
        %dma_start3A_302 = tpu.memref_slice %arg7[%dma_start3A_294, %dma_start3A_301] : memref<2x200xi32, #tpu.memory_space<vmem>> -> memref<1x200xi32, #tpu.memory_space<vmem>>
        %dma_start3A_303 = tpu.memref_squeeze %dma_start3A_302 : memref<1x200xi32, #tpu.memory_space<vmem>> -> memref<200xi32, #tpu.memory_space<vmem>>
        %dma_start3A_304 = arith.constant 0 : i32
        %dma_start3A_305 = tpu.memref_slice %arg2[%add3A_293, %dma_start3A_304] : memref<4096x200xi32, #tpu.memory_space<hbm>> -> memref<1x200xi32, #tpu.memory_space<hbm>>
        %dma_start3A_306 = tpu.memref_squeeze %dma_start3A_305 : memref<1x200xi32, #tpu.memory_space<hbm>> -> memref<200xi32, #tpu.memory_space<hbm>>
        tpu.enqueue_dma source(%dma_start3A_306 : memref<200xi32, #tpu.memory_space<hbm>>) target(%dma_start3A_303 : memref<200xi32, #tpu.memory_space<vmem>>) target_semaphore(%arg14 : memref<!tpu.dma_semaphore, #tpu.memory_space<semaphore_mem>>)
      } else {
      }
      %add3A_242 = arith.constant 1 : i32
      %add3A_243 = arith.addi %add3A_210, %add3A_242 : i32
      %lt3A_244 = arith.constant 64 : i32
      %lt3A_245 = arith.cmpi slt, %add3A_243, %lt3A_244 : i32
      %convert_element_type3A_246 = arith.extui %lt3A_245 : i1 to i32
      %cond3A_247 = arith.constant 0 : i32
      %cond3A_248 = arith.cmpi ne, %convert_element_type3A_246, %cond3A_247 : i32
      scf.if %cond3A_248 {
        %add3A_269 = arith.constant 1 : i32
        %add3A_270 = arith.addi %add3A_210, %add3A_269 : i32
        %mul3A_271 = arith.constant 2 : i32
        %mul3A_272 = arith.muli %add3A_270, %mul3A_271 : i32
        %add3A_273 = arith.addi %mul3A_2, %mul3A_272 : i32
        %add3A_274 = arith.constant 0 : i32
        %add3A_275 = arith.addi %add3A_273, %add3A_274 : i32
        %dma_wait3A_276 = arith.constant 0 : i32
        %dma_wait3A_277 = arith.constant 0 : i32
        %dma_wait3A_278 = tpu.memref_slice %arg6[%dma_wait3A_276, %dma_wait3A_277] : memref<2x200xi32, #tpu.memory_space<vmem>> -> memref<1x200xi32, #tpu.memory_space<vmem>>
        %dma_wait3A_279 = tpu.memref_squeeze %dma_wait3A_278 : memref<1x200xi32, #tpu.memory_space<vmem>> -> memref<200xi32, #tpu.memory_space<vmem>>
        %dma_wait3A_280 = arith.constant 0 : i32
        %dma_wait3A_281 = tpu.memref_slice %arg2[%add3A_275, %dma_wait3A_280] : memref<4096x200xi32, #tpu.memory_space<hbm>> -> memref<1x200xi32, #tpu.memory_space<hbm>>
        %dma_wait3A_282 = tpu.memref_squeeze %dma_wait3A_281 : memref<1x200xi32, #tpu.memory_space<hbm>> -> memref<200xi32, #tpu.memory_space<hbm>>
        %dma_wait3A_283 = arith.constant 0 : i32
        %dma_wait3A_284 = tpu.memref_slice %arg6[%dma_wait3A_276, %dma_wait3A_283] : memref<2x200xi32, #tpu.memory_space<vmem>> -> memref<1x200xi32, #tpu.memory_space<vmem>>
        %dma_wait3A_285 = tpu.memref_squeeze %dma_wait3A_284 : memref<1x200xi32, #tpu.memory_space<vmem>> -> memref<200xi32, #tpu.memory_space<vmem>>
        %dma_wait3A_286 = arith.constant 0 : i32
        %dma_wait3A_287 = tpu.memref_slice %arg2[%add3A_275, %dma_wait3A_286] : memref<4096x200xi32, #tpu.memory_space<hbm>> -> memref<1x200xi32, #tpu.memory_space<hbm>>
        %dma_wait3A_288 = tpu.memref_squeeze %dma_wait3A_287 : memref<1x200xi32, #tpu.memory_space<hbm>> -> memref<200xi32, #tpu.memory_space<hbm>>
        tpu.wait_dma2 semaphore(%arg13 : memref<!tpu.dma_semaphore, #tpu.memory_space<semaphore_mem>>) src(%dma_wait3A_288 : memref<200xi32, #tpu.memory_space<hbm>>) dst(%dma_wait3A_285 : memref<200xi32, #tpu.memory_space<vmem>>)
        %mul3A_289 = arith.constant 2 : i32
        %mul3A_290 = arith.muli %add3A_270, %mul3A_289 : i32
        %add3A_291 = arith.addi %mul3A_2, %mul3A_290 : i32
        %add3A_292 = arith.constant 1 : i32
        %add3A_293 = arith.addi %add3A_291, %add3A_292 : i32
        %dma_wait3A_294 = arith.constant 1 : i32
        %dma_wait3A_295 = arith.constant 0 : i32
        %dma_wait3A_296 = tpu.memref_slice %arg6[%dma_wait3A_294, %dma_wait3A_295] : memref<2x200xi32, #tpu.memory_space<vmem>> -> memref<1x200xi32, #tpu.memory_space<vmem>>
        %dma_wait3A_297 = tpu.memref_squeeze %dma_wait3A_296 : memref<1x200xi32, #tpu.memory_space<vmem>> -> memref<200xi32, #tpu.memory_space<vmem>>
        %dma_wait3A_298 = arith.constant 0 : i32
        %dma_wait3A_299 = tpu.memref_slice %arg2[%add3A_293, %dma_wait3A_298] : memref<4096x200xi32, #tpu.memory_space<hbm>> -> memref<1x200xi32, #tpu.memory_space<hbm>>
        %dma_wait3A_300 = tpu.memref_squeeze %dma_wait3A_299 : memref<1x200xi32, #tpu.memory_space<hbm>> -> memref<200xi32, #tpu.memory_space<hbm>>
        %dma_wait3A_301 = arith.constant 0 : i32
        %dma_wait3A_302 = tpu.memref_slice %arg6[%dma_wait3A_294, %dma_wait3A_301] : memref<2x200xi32, #tpu.memory_space<vmem>> -> memref<1x200xi32, #tpu.memory_space<vmem>>
        %dma_wait3A_303 = tpu.memref_squeeze %dma_wait3A_302 : memref<1x200xi32, #tpu.memory_space<vmem>> -> memref<200xi32, #tpu.memory_space<vmem>>
        %dma_wait3A_304 = arith.constant 0 : i32
        %dma_wait3A_305 = tpu.memref_slice %arg2[%add3A_293, %dma_wait3A_304] : memref<4096x200xi32, #tpu.memory_space<hbm>> -> memref<1x200xi32, #tpu.memory_space<hbm>>
        %dma_wait3A_306 = tpu.memref_squeeze %dma_wait3A_305 : memref<1x200xi32, #tpu.memory_space<hbm>> -> memref<200xi32, #tpu.memory_space<hbm>>
        tpu.wait_dma2 semaphore(%arg13 : memref<!tpu.dma_semaphore, #tpu.memory_space<semaphore_mem>>) src(%dma_wait3A_306 : memref<200xi32, #tpu.memory_space<hbm>>) dst(%dma_wait3A_303 : memref<200xi32, #tpu.memory_space<vmem>>)
        %add3A_307 = arith.constant 1 : i32
        %add3A_308 = arith.addi %add3A_210, %add3A_307 : i32
        %dma_start3A_309 = arith.constant 0 : i32
        %dma_start3A_310 = arith.constant 0 : i32
        %dma_start3A_311 = arith.constant 0 : i32
        %dma_start3A_312 = arith.constant 0 : i32
        %dma_start3A_313 = tpu.memref_slice %arg8[%dma_start3A_310, %dma_start3A_311, %dma_start3A_312] : memref<2x200x64xf32, #tpu.memory_space<vmem>> -> memref<1x200x64xf32, #tpu.memory_space<vmem>>
        %dma_start3A_314 = tpu.memref_squeeze %dma_start3A_313 : memref<1x200x64xf32, #tpu.memory_space<vmem>> -> memref<200x64xf32, #tpu.memory_space<vmem>>
        %dma_start3A_315 = arith.constant 0 : i32
        %dma_start3A_316 = tpu.memref_slice %arg6[%dma_start3A_309, %dma_start3A_315] : memref<2x200xi32, #tpu.memory_space<vmem>> -> memref<1x200xi32, #tpu.memory_space<vmem>>
        %dma_start3A_317 = tpu.memref_squeeze %dma_start3A_316 : memref<1x200xi32, #tpu.memory_space<vmem>> -> memref<200xi32, #tpu.memory_space<vmem>>
        %dma_start3A_318 = arith.constant 0 : i32
        %dma_start3A_319 = arith.constant 0 : i32
        %dma_start3A_320 = tpu.memref_slice %arg3[%dma_start3A_318, %dma_start3A_319] : memref<1000000x64xf32, #tpu.memory_space<hbm>> -> memref<1000000x64xf32, #tpu.memory_space<hbm>>
        tpu.enqueue_indirect_dma source(%dma_start3A_320 : memref<1000000x64xf32, #tpu.memory_space<hbm>>) target(%dma_start3A_314 : memref<200x64xf32, #tpu.memory_space<vmem>>) offsets(%dma_start3A_317 : memref<200xi32, #tpu.memory_space<vmem>>) semaphore(%arg15 : memref<!tpu.dma_semaphore, #tpu.memory_space<semaphore_mem>>)
        %dma_start3A_321 = arith.constant 1 : i32
        %dma_start3A_322 = arith.constant 1 : i32
        %dma_start3A_323 = arith.constant 0 : i32
        %dma_start3A_324 = arith.constant 0 : i32
        %dma_start3A_325 = tpu.memref_slice %arg8[%dma_start3A_322, %dma_start3A_323, %dma_start3A_324] : memref<2x200x64xf32, #tpu.memory_space<vmem>> -> memref<1x200x64xf32, #tpu.memory_space<vmem>>
        %dma_start3A_326 = tpu.memref_squeeze %dma_start3A_325 : memref<1x200x64xf32, #tpu.memory_space<vmem>> -> memref<200x64xf32, #tpu.memory_space<vmem>>
        %dma_start3A_327 = arith.constant 0 : i32
        %dma_start3A_328 = tpu.memref_slice %arg6[%dma_start3A_321, %dma_start3A_327] : memref<2x200xi32, #tpu.memory_space<vmem>> -> memref<1x200xi32, #tpu.memory_space<vmem>>
        %dma_start3A_329 = tpu.memref_squeeze %dma_start3A_328 : memref<1x200xi32, #tpu.memory_space<vmem>> -> memref<200xi32, #tpu.memory_space<vmem>>
        %dma_start3A_330 = arith.constant 0 : i32
        %dma_start3A_331 = arith.constant 0 : i32
        %dma_start3A_332 = tpu.memref_slice %arg3[%dma_start3A_330, %dma_start3A_331] : memref<1000000x64xf32, #tpu.memory_space<hbm>> -> memref<1000000x64xf32, #tpu.memory_space<hbm>>
        tpu.enqueue_indirect_dma source(%dma_start3A_332 : memref<1000000x64xf32, #tpu.memory_space<hbm>>) target(%dma_start3A_326 : memref<200x64xf32, #tpu.memory_space<vmem>>) offsets(%dma_start3A_329 : memref<200xi32, #tpu.memory_space<vmem>>) semaphore(%arg15 : memref<!tpu.dma_semaphore, #tpu.memory_space<semaphore_mem>>)
      } else {
      }
      %ge3A_249 = arith.constant 2 : i32
      %ge3A_250 = arith.cmpi sge, %add3A_210, %ge3A_249 : i32
      %convert_element_type3A_251 = arith.extui %ge3A_250 : i1 to i32
      %cond3A_252 = arith.constant 0 : i32
      %cond3A_253 = arith.cmpi ne, %convert_element_type3A_251, %cond3A_252 : i32
      scf.if %cond3A_253 {
        %sub3A = arith.constant 2 : i32
        %sub3A_269 = arith.subi %add3A_210, %sub3A : i32
        %mul3A_270 = arith.constant 2 : i32
        %mul3A_271 = arith.muli %sub3A_269, %mul3A_270 : i32
        %add3A_272 = arith.addi %mul3A_2, %mul3A_271 : i32
        %dma_wait3A_273 = arith.constant 0 : i32
        %dma_wait3A_274 = arith.constant 0 : i32
        %dma_wait3A_275 = tpu.memref_slice %arg5[%add3A_272, %dma_wait3A_273, %dma_wait3A_274] : memref<4096x200x64xf32, #tpu.memory_space<hbm>> -> memref<2x200x64xf32, #tpu.memory_space<hbm>>
        %dma_wait3A_276 = arith.constant 0 : i32
        %dma_wait3A_277 = arith.constant 0 : i32
        %dma_wait3A_278 = tpu.memref_slice %arg5[%add3A_272, %dma_wait3A_276, %dma_wait3A_277] : memref<4096x200x64xf32, #tpu.memory_space<hbm>> -> memref<2x200x64xf32, #tpu.memory_space<hbm>>
        tpu.wait_dma2 semaphore(%arg18 : memref<!tpu.dma_semaphore, #tpu.memory_space<semaphore_mem>>) src(%arg11 : memref<2x200x64xf32, #tpu.memory_space<vmem>>) dst(%dma_wait3A_278 : memref<2x200x64xf32, #tpu.memory_space<hbm>>)
      } else {
      }
      %scan3A_254 = arith.constant 0 : i32
      %scan3A_255 = arith.constant 0 : i32
      %scan3A_256 = arith.constant 200 : i32
      %scan3A_257 = arith.addi %scan3A_255, %scan3A_256 : i32
      %scan3A_258 = arith.constant 1 : i32
      scf.for %scan3A_269 = %scan3A_255 to %scan3A_257 step %scan3A_258  : i32 {
        %get3A = arith.index_cast %scan3A_269 : i32 to index
        %get3A_270 = arith.constant 0 : index
        %get3A_271 = tpu.vector_load %arg12[%get3A, %get3A_270] {strides = array<i32>} : memref<200x64xf32, #tpu.memory_space<vmem>>, vector<1x16xf32>,
        %get3A_272 = vector.shape_cast %get3A_271 : vector<1x16xf32> to vector<16xf32>
        %get3A_273 = arith.constant 0 : i32
        %get3A_274 = arith.index_cast %get3A_273 : i32 to index
        %get3A_275 = arith.index_cast %scan3A_269 : i32 to index
        %get3A_276 = arith.constant 0 : index
        %get3A_277 = tpu.vector_load %arg9[%get3A_274, %get3A_275, %get3A_276] {strides = array<i32>} : memref<2x200x64xf32, #tpu.memory_space<vmem>>, vector<1x1x16xf32>,
        %get3A_278 = vector.shape_cast %get3A_277 : vector<1x1x16xf32> to vector<16xf32>
        %mul3A_279 = arith.constant 8.000000e+00 : f32
        %mul3A_280 = vector.broadcast %mul3A_279 : f32 to vector<16xf32>
        %mul3A_281 = arith.mulf %get3A_278, %mul3A_280 : vector<16xf32>
        %add3A_282 = arith.addf %mul3A_281, %get3A_272 : vector<16xf32>
        %swap3A = arith.constant 0 : i32
        %swap3A_283 = arith.index_cast %swap3A : i32 to index
        %swap3A_284 = arith.index_cast %scan3A_269 : i32 to index
        %swap3A_285 = arith.constant 0 : index
        %swap3A_286 = tpu.vector_load %arg11[%swap3A_283, %swap3A_284, %swap3A_285] {strides = array<i32>} : memref<2x200x64xf32, #tpu.memory_space<vmem>>, vector<1x1x16xf32>,
        %swap3A_287 = vector.shape_cast %swap3A_286 : vector<1x1x16xf32> to vector<16xf32>
        %swap3A_288 = vector.shape_cast %add3A_282 : vector<16xf32> to vector<1x1x16xf32>
        tpu.vector_store %arg11[%swap3A_283, %swap3A_284, %swap3A_285], %swap3A_288 {strides = array<i32>} : memref<2x200x64xf32, #tpu.memory_space<vmem>>, vector<1x1x16xf32>,
        %get3A_289 = arith.constant 1 : i32
        %get3A_290 = arith.index_cast %get3A_289 : i32 to index
        %get3A_291 = arith.index_cast %scan3A_269 : i32 to index
        %get3A_292 = arith.constant 0 : index
        %get3A_293 = tpu.vector_load %arg9[%get3A_290, %get3A_291, %get3A_292] {strides = array<i32>} : memref<2x200x64xf32, #tpu.memory_space<vmem>>, vector<1x1x16xf32>,
        %get3A_294 = vector.shape_cast %get3A_293 : vector<1x1x16xf32> to vector<16xf32>
        %mul3A_295 = arith.constant 8.000000e+00 : f32
        %mul3A_296 = vector.broadcast %mul3A_295 : f32 to vector<16xf32>
        %mul3A_297 = arith.mulf %get3A_294, %mul3A_296 : vector<16xf32>
        %add3A_298 = arith.addf %mul3A_297, %get3A_272 : vector<16xf32>
        %swap3A_299 = arith.constant 1 : i32
        %swap3A_300 = arith.index_cast %swap3A_299 : i32 to index
        %swap3A_301 = arith.index_cast %scan3A_269 : i32 to index
        %swap3A_302 = arith.constant 0 : index
        %swap3A_303 = tpu.vector_load %arg11[%swap3A_300, %swap3A_301, %swap3A_302] {strides = array<i32>} : memref<2x200x64xf32, #tpu.memory_space<vmem>>, vector<1x1x16xf32>,
        %swap3A_304 = vector.shape_cast %swap3A_303 : vector<1x1x16xf32> to vector<16xf32>
        %swap3A_305 = vector.shape_cast %add3A_298 : vector<16xf32> to vector<1x1x16xf32>
        tpu.vector_store %arg11[%swap3A_300, %swap3A_301, %swap3A_302], %swap3A_305 {strides = array<i32>} : memref<2x200x64xf32, #tpu.memory_space<vmem>>, vector<1x1x16xf32>,
        %get3A_306 = arith.index_cast %scan3A_269 : i32 to index
        %get3A_307 = arith.constant 16 : index
        %get3A_308 = tpu.vector_load %arg12[%get3A_306, %get3A_307] {strides = array<i32>} : memref<200x64xf32, #tpu.memory_space<vmem>>, vector<1x16xf32>,
        %get3A_309 = vector.shape_cast %get3A_308 : vector<1x16xf32> to vector<16xf32>
        %get3A_310 = arith.constant 0 : i32
        %get3A_311 = arith.index_cast %get3A_310 : i32 to index
        %get3A_312 = arith.index_cast %scan3A_269 : i32 to index
        %get3A_313 = arith.constant 16 : index
        %get3A_314 = tpu.vector_load %arg9[%get3A_311, %get3A_312, %get3A_313] {strides = array<i32>} : memref<2x200x64xf32, #tpu.memory_space<vmem>>, vector<1x1x16xf32>,
        %get3A_315 = vector.shape_cast %get3A_314 : vector<1x1x16xf32> to vector<16xf32>
        %mul3A_316 = arith.constant 8.000000e+00 : f32
        %mul3A_317 = vector.broadcast %mul3A_316 : f32 to vector<16xf32>
        %mul3A_318 = arith.mulf %get3A_315, %mul3A_317 : vector<16xf32>
        %add3A_319 = arith.addf %mul3A_318, %get3A_309 : vector<16xf32>
        %swap3A_320 = arith.constant 0 : i32
        %swap3A_321 = arith.index_cast %swap3A_320 : i32 to index
        %swap3A_322 = arith.index_cast %scan3A_269 : i32 to index
        %swap3A_323 = arith.constant 16 : index
        %swap3A_324 = tpu.vector_load %arg11[%swap3A_321, %swap3A_322, %swap3A_323] {strides = array<i32>} : memref<2x200x64xf32, #tpu.memory_space<vmem>>, vector<1x1x16xf32>,
        %swap3A_325 = vector.shape_cast %swap3A_324 : vector<1x1x16xf32> to vector<16xf32>
        %swap3A_326 = vector.shape_cast %add3A_319 : vector<16xf32> to vector<1x1x16xf32>
        tpu.vector_store %arg11[%swap3A_321, %swap3A_322, %swap3A_323], %swap3A_326 {strides = array<i32>} : memref<2x200x64xf32, #tpu.memory_space<vmem>>, vector<1x1x16xf32>,
        %get3A_327 = arith.constant 1 : i32
        %get3A_328 = arith.index_cast %get3A_327 : i32 to index
        %get3A_329 = arith.index_cast %scan3A_269 : i32 to index
        %get3A_330 = arith.constant 16 : index
        %get3A_331 = tpu.vector_load %arg9[%get3A_328, %get3A_329, %get3A_330] {strides = array<i32>} : memref<2x200x64xf32, #tpu.memory_space<vmem>>, vector<1x1x16xf32>,
        %get3A_332 = vector.shape_cast %get3A_331 : vector<1x1x16xf32> to vector<16xf32>
        %mul3A_333 = arith.constant 8.000000e+00 : f32
        %mul3A_334 = vector.broadcast %mul3A_333 : f32 to vector<16xf32>
        %mul3A_335 = arith.mulf %get3A_332, %mul3A_334 : vector<16xf32>
        %add3A_336 = arith.addf %mul3A_335, %get3A_309 : vector<16xf32>
        %swap3A_337 = arith.constant 1 : i32
        %swap3A_338 = arith.index_cast %swap3A_337 : i32 to index
        %swap3A_339 = arith.index_cast %scan3A_269 : i32 to index
        %swap3A_340 = arith.constant 16 : index
        %swap3A_341 = tpu.vector_load %arg11[%swap3A_338, %swap3A_339, %swap3A_340] {strides = array<i32>} : memref<2x200x64xf32, #tpu.memory_space<vmem>>, vector<1x1x16xf32>,
        %swap3A_342 = vector.shape_cast %swap3A_341 : vector<1x1x16xf32> to vector<16xf32>
        %swap3A_343 = vector.shape_cast %add3A_336 : vector<16xf32> to vector<1x1x16xf32>
        tpu.vector_store %arg11[%swap3A_338, %swap3A_339, %swap3A_340], %swap3A_343 {strides = array<i32>} : memref<2x200x64xf32, #tpu.memory_space<vmem>>, vector<1x1x16xf32>,
        %get3A_344 = arith.index_cast %scan3A_269 : i32 to index
        %get3A_345 = arith.constant 32 : index
        %get3A_346 = tpu.vector_load %arg12[%get3A_344, %get3A_345] {strides = array<i32>} : memref<200x64xf32, #tpu.memory_space<vmem>>, vector<1x16xf32>,
        %get3A_347 = vector.shape_cast %get3A_346 : vector<1x16xf32> to vector<16xf32>
        %get3A_348 = arith.constant 0 : i32
        %get3A_349 = arith.index_cast %get3A_348 : i32 to index
        %get3A_350 = arith.index_cast %scan3A_269 : i32 to index
        %get3A_351 = arith.constant 32 : index
        %get3A_352 = tpu.vector_load %arg9[%get3A_349, %get3A_350, %get3A_351] {strides = array<i32>} : memref<2x200x64xf32, #tpu.memory_space<vmem>>, vector<1x1x16xf32>,
        %get3A_353 = vector.shape_cast %get3A_352 : vector<1x1x16xf32> to vector<16xf32>
        %mul3A_354 = arith.constant 8.000000e+00 : f32
        %mul3A_355 = vector.broadcast %mul3A_354 : f32 to vector<16xf32>
        %mul3A_356 = arith.mulf %get3A_353, %mul3A_355 : vector<16xf32>
        %add3A_357 = arith.addf %mul3A_356, %get3A_347 : vector<16xf32>
        %swap3A_358 = arith.constant 0 : i32
        %swap3A_359 = arith.index_cast %swap3A_358 : i32 to index
        %swap3A_360 = arith.index_cast %scan3A_269 : i32 to index
        %swap3A_361 = arith.constant 32 : index
        %swap3A_362 = tpu.vector_load %arg11[%swap3A_359, %swap3A_360, %swap3A_361] {strides = array<i32>} : memref<2x200x64xf32, #tpu.memory_space<vmem>>, vector<1x1x16xf32>,
        %swap3A_363 = vector.shape_cast %swap3A_362 : vector<1x1x16xf32> to vector<16xf32>
        %swap3A_364 = vector.shape_cast %add3A_357 : vector<16xf32> to vector<1x1x16xf32>
        tpu.vector_store %arg11[%swap3A_359, %swap3A_360, %swap3A_361], %swap3A_364 {strides = array<i32>} : memref<2x200x64xf32, #tpu.memory_space<vmem>>, vector<1x1x16xf32>,
        %get3A_365 = arith.constant 1 : i32
        %get3A_366 = arith.index_cast %get3A_365 : i32 to index
        %get3A_367 = arith.index_cast %scan3A_269 : i32 to index
        %get3A_368 = arith.constant 32 : index
        %get3A_369 = tpu.vector_load %arg9[%get3A_366, %get3A_367, %get3A_368] {strides = array<i32>} : memref<2x200x64xf32, #tpu.memory_space<vmem>>, vector<1x1x16xf32>,
        %get3A_370 = vector.shape_cast %get3A_369 : vector<1x1x16xf32> to vector<16xf32>
        %mul3A_371 = arith.constant 8.000000e+00 : f32
        %mul3A_372 = vector.broadcast %mul3A_371 : f32 to vector<16xf32>
        %mul3A_373 = arith.mulf %get3A_370, %mul3A_372 : vector<16xf32>
        %add3A_374 = arith.addf %mul3A_373, %get3A_347 : vector<16xf32>
        %swap3A_375 = arith.constant 1 : i32
        %swap3A_376 = arith.index_cast %swap3A_375 : i32 to index
        %swap3A_377 = arith.index_cast %scan3A_269 : i32 to index
        %swap3A_378 = arith.constant 32 : index
        %swap3A_379 = tpu.vector_load %arg11[%swap3A_376, %swap3A_377, %swap3A_378] {strides = array<i32>} : memref<2x200x64xf32, #tpu.memory_space<vmem>>, vector<1x1x16xf32>,
        %swap3A_380 = vector.shape_cast %swap3A_379 : vector<1x1x16xf32> to vector<16xf32>
        %swap3A_381 = vector.shape_cast %add3A_374 : vector<16xf32> to vector<1x1x16xf32>
        tpu.vector_store %arg11[%swap3A_376, %swap3A_377, %swap3A_378], %swap3A_381 {strides = array<i32>} : memref<2x200x64xf32, #tpu.memory_space<vmem>>, vector<1x1x16xf32>,
        %get3A_382 = arith.index_cast %scan3A_269 : i32 to index
        %get3A_383 = arith.constant 48 : index
        %get3A_384 = tpu.vector_load %arg12[%get3A_382, %get3A_383] {strides = array<i32>} : memref<200x64xf32, #tpu.memory_space<vmem>>, vector<1x16xf32>,
        %get3A_385 = vector.shape_cast %get3A_384 : vector<1x16xf32> to vector<16xf32>
        %get3A_386 = arith.constant 0 : i32
        %get3A_387 = arith.index_cast %get3A_386 : i32 to index
        %get3A_388 = arith.index_cast %scan3A_269 : i32 to index
        %get3A_389 = arith.constant 48 : index
        %get3A_390 = tpu.vector_load %arg9[%get3A_387, %get3A_388, %get3A_389] {strides = array<i32>} : memref<2x200x64xf32, #tpu.memory_space<vmem>>, vector<1x1x16xf32>,
        %get3A_391 = vector.shape_cast %get3A_390 : vector<1x1x16xf32> to vector<16xf32>
        %mul3A_392 = arith.constant 8.000000e+00 : f32
        %mul3A_393 = vector.broadcast %mul3A_392 : f32 to vector<16xf32>
        %mul3A_394 = arith.mulf %get3A_391, %mul3A_393 : vector<16xf32>
        %add3A_395 = arith.addf %mul3A_394, %get3A_385 : vector<16xf32>
        %swap3A_396 = arith.constant 0 : i32
        %swap3A_397 = arith.index_cast %swap3A_396 : i32 to index
        %swap3A_398 = arith.index_cast %scan3A_269 : i32 to index
        %swap3A_399 = arith.constant 48 : index
        %swap3A_400 = tpu.vector_load %arg11[%swap3A_397, %swap3A_398, %swap3A_399] {strides = array<i32>} : memref<2x200x64xf32, #tpu.memory_space<vmem>>, vector<1x1x16xf32>,
        %swap3A_401 = vector.shape_cast %swap3A_400 : vector<1x1x16xf32> to vector<16xf32>
        %swap3A_402 = vector.shape_cast %add3A_395 : vector<16xf32> to vector<1x1x16xf32>
        tpu.vector_store %arg11[%swap3A_397, %swap3A_398, %swap3A_399], %swap3A_402 {strides = array<i32>} : memref<2x200x64xf32, #tpu.memory_space<vmem>>, vector<1x1x16xf32>,
        %get3A_403 = arith.constant 1 : i32
        %get3A_404 = arith.index_cast %get3A_403 : i32 to index
        %get3A_405 = arith.index_cast %scan3A_269 : i32 to index
        %get3A_406 = arith.constant 48 : index
        %get3A_407 = tpu.vector_load %arg9[%get3A_404, %get3A_405, %get3A_406] {strides = array<i32>} : memref<2x200x64xf32, #tpu.memory_space<vmem>>, vector<1x1x16xf32>,
        %get3A_408 = vector.shape_cast %get3A_407 : vector<1x1x16xf32> to vector<16xf32>
        %mul3A_409 = arith.constant 8.000000e+00 : f32
        %mul3A_410 = vector.broadcast %mul3A_409 : f32 to vector<16xf32>
        %mul3A_411 = arith.mulf %get3A_408, %mul3A_410 : vector<16xf32>
        %add3A_412 = arith.addf %mul3A_411, %get3A_385 : vector<16xf32>
        %swap3A_413 = arith.constant 1 : i32
        %swap3A_414 = arith.index_cast %swap3A_413 : i32 to index
        %swap3A_415 = arith.index_cast %scan3A_269 : i32 to index
        %swap3A_416 = arith.constant 48 : index
        %swap3A_417 = tpu.vector_load %arg11[%swap3A_414, %swap3A_415, %swap3A_416] {strides = array<i32>} : memref<2x200x64xf32, #tpu.memory_space<vmem>>, vector<1x1x16xf32>,
        %swap3A_418 = vector.shape_cast %swap3A_417 : vector<1x1x16xf32> to vector<16xf32>
        %swap3A_419 = vector.shape_cast %add3A_412 : vector<16xf32> to vector<1x1x16xf32>
        tpu.vector_store %arg11[%swap3A_414, %swap3A_415, %swap3A_416], %swap3A_419 {strides = array<i32>} : memref<2x200x64xf32, #tpu.memory_space<vmem>>, vector<1x1x16xf32>,
      }
      %scan3A_259 = arith.constant 200 : i32
      %mul3A_260 = arith.constant 2 : i32
      %mul3A_261 = arith.muli %add3A_210, %mul3A_260 : i32
      %add3A_262 = arith.addi %mul3A_2, %mul3A_261 : i32
      %dma_start3A_263 = arith.constant 0 : i32
      %dma_start3A_264 = arith.constant 0 : i32
      %dma_start3A_265 = tpu.memref_slice %arg5[%add3A_262, %dma_start3A_263, %dma_start3A_264] : memref<4096x200x64xf32, #tpu.memory_space<hbm>> -> memref<2x200x64xf32, #tpu.memory_space<hbm>>
      %dma_start3A_266 = arith.constant 0 : i32
      %dma_start3A_267 = arith.constant 0 : i32
      %dma_start3A_268 = tpu.memref_slice %arg5[%add3A_262, %dma_start3A_266, %dma_start3A_267] : memref<4096x200x64xf32, #tpu.memory_space<hbm>> -> memref<2x200x64xf32, #tpu.memory_space<hbm>>
      tpu.enqueue_dma source(%arg11 : memref<2x200x64xf32, #tpu.memory_space<vmem>>) target(%dma_start3A_268 : memref<2x200x64xf32, #tpu.memory_space<hbm>>) target_semaphore(%arg18 : memref<!tpu.dma_semaphore, #tpu.memory_space<semaphore_mem>>)
    }
    %scan3A_131 = arith.constant 32 : i32
    %add3A_132 = arith.constant 124 : i32
    %add3A_133 = arith.addi %mul3A_2, %add3A_132 : i32
    %dma_wait3A_134 = arith.constant 0 : i32
    %dma_wait3A_135 = arith.constant 0 : i32
    %dma_wait3A_136 = tpu.memref_slice %arg5[%add3A_133, %dma_wait3A_134, %dma_wait3A_135] : memref<4096x200x64xf32, #tpu.memory_space<hbm>> -> memref<2x200x64xf32, #tpu.memory_space<hbm>>
    %dma_wait3A_137 = arith.constant 0 : i32
    %dma_wait3A_138 = arith.constant 0 : i32
    %dma_wait3A_139 = tpu.memref_slice %arg5[%add3A_133, %dma_wait3A_137, %dma_wait3A_138] : memref<4096x200x64xf32, #tpu.memory_space<hbm>> -> memref<2x200x64xf32, #tpu.memory_space<hbm>>
    tpu.wait_dma2 semaphore(%arg17 : memref<!tpu.dma_semaphore, #tpu.memory_space<semaphore_mem>>) src(%arg10 : memref<2x200x64xf32, #tpu.memory_space<vmem>>) dst(%dma_wait3A_139 : memref<2x200x64xf32, #tpu.memory_space<hbm>>)
    %add3A_140 = arith.constant 126 : i32
    %add3A_141 = arith.addi %mul3A_2, %add3A_140 : i32
    %dma_wait3A_142 = arith.constant 0 : i32
    %dma_wait3A_143 = arith.constant 0 : i32
    %dma_wait3A_144 = tpu.memref_slice %arg5[%add3A_141, %dma_wait3A_142, %dma_wait3A_143] : memref<4096x200x64xf32, #tpu.memory_space<hbm>> -> memref<2x200x64xf32, #tpu.memory_space<hbm>>
    %dma_wait3A_145 = arith.constant 0 : i32
    %dma_wait3A_146 = arith.constant 0 : i32
    %dma_wait3A_147 = tpu.memref_slice %arg5[%add3A_141, %dma_wait3A_145, %dma_wait3A_146] : memref<4096x200x64xf32, #tpu.memory_space<hbm>> -> memref<2x200x64xf32, #tpu.memory_space<hbm>>
    tpu.wait_dma2 semaphore(%arg18 : memref<!tpu.dma_semaphore, #tpu.memory_space<semaphore_mem>>) src(%arg11 : memref<2x200x64xf32, #tpu.memory_space<vmem>>) dst(%dma_wait3A_147 : memref<2x200x64xf32, #tpu.memory_space<hbm>>)
    return
  }
}

</mosaic_0001>

<sc_bundles>
// kernel: _emb_lookup.3.cloned.1.call-start
scs
__scs_entry_jumppad:
0x0: {  	(pc) =	sbr.rel $0x88, $3  }
0x1: {  	(tag) =	ssettag $0x0;
	lr =	simm.s32 $0x1  }
0x2: {  	[smem:$0x3F9E] =	sst lr;
	_ =	strace $0xD0000000  }
0x3: {  	_ = 	snop  }
0x4: {  	_ = 	snop  }
0x5: {  	_ = 	snop  }
0x6: {  	_ = 	snop  }
0x7: {  	_ = 	snop  }
__scs_overlays_trampoline_lowered:
0x8: {  	[smem:$0x3FAD] =	sst s0  }
0x9: {  	[smem:$0x3FAE] =	sst s1  }
0xa: {  	[smem:$0x3FAF] =	sst s2  }
0xb: {  	[smem:$0x3FB0] =	sst s3  }
0xc: {  	[smem:$0x3FB1] =	sst s4  }
0xd: {  	[smem:$0x3FB2] =	sst s5  }
0xe: {  	[smem:$0x3FB3] =	sst s6  }
0xf: {  	[smem:$0x3FB4] =	sst s7  }
0x10: {  	[smem:$0x3FB5] =	sst s8  }
0x11: {  	[smem:$0x3FB6] =	sst s9;
	s0 =	simm.s32 @!p0 $0x0  }
0x12: {  	s1 =	sld [smem:$0x3F9C];
	s0 =	simm.s32 @p0 $0x1  }
0x13: {  	[smem:$0x3FB7] =	sst s0;
	s0 =	simm.s32 @!p1 $0x0  }
0x14: {  	s2 =	sld [smem:$0x3F9B];
	s0 =	simm.s32 @p1 $0x1  }
0x15: {  	[smem:$0x3FB8] =	sst s0;
	s0 =	simm.s32 @!p2 $0x0  }
0x16: {  	s3 =	sld [smem:$0x3FDB];
	s0 =	simm.s32 @p2 $0x1  }
0x17: {  	s4 =	simm.s32 $0x1BF5;
	[smem:$0x3FBA] =	sst s0  }
0x18: {  	s0 =	sld [smem:$0x3F9D];
	_ =	swait.ge [sflag:s4], $0x0  }
0x19: {  	s7 =	sld [smem:$0x3F9E]  }
0x1a: {  	s8 =	sadd.s32 $0xFFFFE003, lr  }
0x1b: {  	s9 =	sadd.s32 $0xFFFFFEF7, lr;
	s5 =	simm.s32 $0xFFFFFFFF;
	p2 =	slt.u32 s8, $0xFFFFF086  }
0x1c: {  	p1 =	slt.u32 s9, $0xF7A;
	s5 =	simm.s32 @!p2 $0x0  }
0x1d: {  	s5 =	simm.s32 @p1 $0x1;
	p0 =	seq.s32 s7, s2  }
0x1e: {  	s7 =	smul.u32 @!p0 $0xF7A, s2;
	p2 =	seq.s32 @!p0 s5, $0x0  }
0x1f: {  	s9 =	smul.u32 $0xF7A, s1;
	s8 =	simm.s32 @!p0 $0x1BF5;
	p2 =	por !p2, p0  }
0x20: {  	[sflag:s8] =	ssyncset.s32 @!p0 $0xFFFFF086;
	s6 =	sadd.s32 @!p0 s3, s7;
	s7 =	simm.s32 @!p0 $0x108  }
0x21: {  	s3 =	sadd.s32 s3, s9;
	s6 =	sadd.s32 @!p0 $0x88, s6;
	s7 =	simm.s32 @p2 $0x1082  }
0x22: {  	[simem:s7], [sflag:s8] =	dma.local @!p0 [hbm:s6], $0xF7A  }
0x23: {  	s9 =	sor.u32 $0xD0000000, s2;
	s6 =	simm.s32 $0x108;
	_ =	swait.ge @!p0 [sflag:s8], $0x0  }
0x24: {  	s3 =	sadd.s32 $0x88, s3;
	s6 =	simm.s32 @!p1 $0x1082;
	[sflag:s4] =	ssyncset.s32 $0xFFFFF086  }
0x25: {  	[simem:s6], [sflag:s4] =	dma.local [hbm:s3], $0xF7A  }
0x26: {  	[smem:$0x3F9E] =	sst s1;
	(tag) =	ssettag s2;
	_ =	strace s9  }
0x27: {  	s1 =	sld [smem:$0x3FAE]  }
0x28: {  	s2 =	sld [smem:$0x3FAF]  }
0x29: {  	s4 =	sld [smem:$0x3FB1]  }
0x2a: {  	p0 =	seq.s32 s5, $0x0;
	s5 =	sld [smem:$0x3FB2]  }
0x2b: {  	s6 =	sld [smem:$0x3FB3]  }
0x2c: {  	s7 =	sld [smem:$0x3FB4]  }
0x2d: {  	s3 =	simm.s32 $0x108;
	s8 =	sld [smem:$0x3FB5]  }
0x2e: {  	s3 =	simm.s32 @!p0 $0x1082;
	s9 =	sld [smem:$0x3FB6]  }
0x2f: {  	lr =	sadd.s32 s0, s3;
	s0 =	sld [smem:$0x3FAD]  }
0x30: {  	s3 =	sld [smem:$0x3FB0]  }
0x31: {  	[smem:$0x3FB9] =	sst s10  }
0x32: {  	s10 =	sld [smem:$0x3FB7];
	_ =	sdelay $0x3  }
0x33: {  	p0 =	seq.s32 s10, $0x1;
	s10 =	sld [smem:$0x3FB9];
	_ =	sdelay $0x3  }
0x34: {  	[smem:$0x3FB9] =	sst s10  }
0x35: {  	s10 =	sld [smem:$0x3FB8];
	_ =	sdelay $0x3  }
0x36: {  	p1 =	seq.s32 s10, $0x1;
	s10 =	sld [smem:$0x3FB9];
	_ =	sdelay $0x3  }
0x37: {  	[smem:$0x3FB9] =	sst s10  }
0x38: {  	s10 =	sld [smem:$0x3FBA]  }
0x39: {  	_ = 	snop;
	(pc) =	sbr.ind lr, $3  }
0x3a: {  	_ = 	snop  }
0x3b: {  	_ = 	snop  }
0x3c: {  	p2 =	seq.s32 s10, $0x1;
	s10 =	sld [smem:$0x3FB9]  }
0x3d: {  	_ =	shalt  }
0x3e: {  	_ =	shalt  }
0x3f: {  	_ =	shalt  }
0x40: {  	_ =	shalt  }
0x41: {  	_ =	shalt  }
0x42: {  	_ =	shalt  }
0x43: {  	_ =	shalt  }
0x44: {  	_ =	shalt  }
0x45: {  	_ =	shalt  }
0x46: {  	_ =	shalt  }
0x47: {  	_ =	shalt  }
0x48: {  	_ =	shalt  }
0x49: {  	_ =	shalt  }
0x4a: {  	_ =	shalt  }
0x4b: {  	_ =	shalt  }
0x4c: {  	_ =	shalt  }
0x4d: {  	_ =	shalt  }
0x4e: {  	_ =	shalt  }
0x4f: {  	_ =	shalt  }
0x50: {  	_ =	shalt  }
0x51: {  	_ =	shalt  }
0x52: {  	_ =	shalt  }
0x53: {  	_ =	shalt  }
0x54: {  	_ =	shalt  }
0x55: {  	_ =	shalt  }
0x56: {  	_ =	shalt  }
0x57: {  	_ =	shalt  }
0x58: {  	_ =	shalt  }
0x59: {  	_ =	shalt  }
0x5a: {  	_ =	shalt  }
0x5b: {  	_ =	shalt  }
0x5c: {  	_ =	shalt  }
0x5d: {  	_ =	shalt  }
0x5e: {  	_ =	shalt  }
0x5f: {  	_ =	shalt  }
0x60: {  	_ =	shalt  }
0x61: {  	_ =	shalt  }
0x62: {  	_ =	shalt  }
0x63: {  	_ =	shalt  }
0x64: {  	_ =	shalt  }
0x65: {  	_ =	shalt  }
0x66: {  	_ =	shalt  }
0x67: {  	_ =	shalt  }
0x68: {  	_ =	shalt  }
0x69: {  	_ =	shalt  }
0x6a: {  	_ =	shalt  }
0x6b: {  	_ =	shalt  }
0x6c: {  	_ =	shalt  }
0x6d: {  	_ =	shalt  }
0x6e: {  	_ =	shalt  }
0x6f: {  	_ =	shalt  }
0x70: {  	_ =	shalt  }
0x71: {  	_ =	shalt  }
0x72: {  	_ =	shalt  }
0x73: {  	_ =	shalt  }
0x74: {  	_ =	shalt  }
0x75: {  	_ =	shalt  }
0x76: {  	_ =	shalt  }
0x77: {  	_ =	shalt  }
0x78: {  	_ =	shalt  }
0x79: {  	_ =	shalt  }
0x7a: {  	_ =	shalt  }
0x7b: {  	_ =	shalt  }
0x7c: {  	_ =	shalt  }
0x7d: {  	_ =	shalt  }
0x7e: {  	_ =	shalt  }
0x7f: {  	_ =	shalt  }
0x80: {  	_ =	shalt  }
0x81: {  	_ =	shalt  }
0x82: {  	_ =	shalt  }
0x83: {  	_ =	shalt  }
0x84: {  	_ =	shalt  }
0x85: {  	_ =	shalt  }
0x86: {  	_ =	shalt  }
0x87: {  	_ =	shalt  }
.Lfunc_end0:
.L_simem_size_0:
called_computation.1_lowered:
.L_overlay_start_0:
0x88: {  	s2 =	sld [smem:$0x3FD9]  }
0x89: {  	s3 =	sld [smem:$0x3FFE];
	_ =	sdelay $0x1  }
0x8a: {  	s1 =	srdreg.scid  }
0x8b: {  	s0 =	sand.u32 $0x1, s1  }
0x8c: {  	s17 =	sshll.u32 s0, $0xA;
	s2 =	sadd.s32 s3, s2  }
0x8d: {  	s2 =	sadd.s32 s2, s17  }
0x8e: {  	[smem:$0x3FC5] =	sst s2  }
0x8f: {  	_ = 	snop  }
0x90: {  	s2 =	sld [smem:$0x3FD0];
	(tm) =	ssettm $0x1  }
0x91: {  	s18 =	sld [smem:$0x3FFB];
	_ =	sdelay $0x3  }
0x92: {  	_ =	strace s18  }
0x93: {  	s3 =	sld [smem:$0x3FFC];
	_ =	sdelay $0x3  }
0x94: {  	_ =	strace s3  }
0x95: {  	s3 =	sld [smem:$0x3FFD];
	_ =	sdelay $0x3  }
0x96: {  	_ =	strace s3  }
0x97: {  	_ =	strace $0x8FFFFFFF  }
0x98: {  	s19 =	sld [smem:$0x3FDB];
	_ =	sdelay $0x1  }
0x99: {  	s4 =	simm.s32 $_scs_section_size  }
0x9a: {  	s5 =	simm.s32 $_size__tile_overlayer_lowered;
	s6 =	simm.s32 $_tile_overlayer_lowered  }
0x9b: {  	s22 =	simm.s32 $0x1BFF;
	s21 =	sshll.u32 s6, $0x1;
	s3 =	sadd.s32 s4, s19  }
0x9c: {  	s7 =	simm.s32 $0x0;
	s20 =	sshll.u32 s5, $0x1;
	s5 =	sadd.s32 s21, s3  }
0x9d: {  	[timem:s7], [sflag:s22] =	dma.local [hbm:s5], s20  }
0x9e: {  	_ =	swait.ge [sflag:s22], s20  }
0x9f: {  	s4 =	ssub.s32 $0x0, s20;
	[sflag:s22] =	ssyncset.done $0x0  }
0xa0: {  	[sflag:s22] =	ssyncadd.s32 s4;
	_ =	sdelay $0x1  }
0xa1: {  	s23 =	simm.s32 $0x1B8B  }
0xa2: {  	_ =	swait.ge [sflag:s23], $0x1  }
0xa3: {  	[sflag:s23] =	ssyncset.done $0x0  }
0xa4: {  	s25 =	simm.s32 $0x1B8E;
	s24 =	sld [smem:$0x3FFE];
	[sflag:s23] =	ssyncadd.s32 $0xFFFFFFFF  }
0xa5: {  	s26 =	simm.s32 $execute0_lowered;
	[smem:$0x3FD2] =	sst s25  }
0xa6: {  	s5 =	sshll.u32 s26, $0x1;
	_ =	strace $0x80000046;
	[dreg:$0x1] =	wrdreg $0xFFFFFFFF  }
0xa7: {  	s28 =	simm.s32 $_size_execute0_lowered;
	s3 =	sadd.s32 s3, s5;
	[dreg:$0x0] =	wrdreg $0x0  }
0xa8: {  	s5 =	sshll.u32 s28, $0x1;
	[dreg:$0x2] =	wrdreg s3  }
0xa9: {  	[dreg:$0x3] =	wrdreg s5  }
0xaa: {  	[dreg:$0x4] =	wrdreg $0xC0  }
0xab: {  	_ =	task [dreg:s7], $0x5FFFF  }
0xac: {  	[dreg:$0x1] =	wrdreg $0xFFFFFFFF  }
0xad: {  	[dreg:$0x0] =	wrdreg $0x60  }
0xae: {  	[dreg:$0x2] =	wrdreg s24  }
0xaf: {  	[dreg:$0x3] =	wrdreg s2  }
0xb0: {  	[dreg:$0x4] =	wrdreg $0x9  }
0xb1: {  	_ =	task.clear_ibuf [dreg:s7], $0x5FFFF;
	_ =	strace $0x90000046  }
0xb2: {  	s29 =	simm.s32 $0x9;
	_ =	strace $0x80000048  }
0xb3: {  	_ =	swait.ge [sflag:s29], $0x1  }
0xb4: {  	[sflag:s29] =	ssyncadd.s32 $0xFFFFFFFF  }
0xb5: {  	_ =	strace $0x90000048  }
0xb6: {  	_ =	sfence  }
0xb7: {  	s30 =	sld [smem:$0x0];
	_ =	sdelay $0x2  }
0xb8: {  	s31 =	sshll.u32 s1, $0xD;
	s1 =	sshrl.u32 s1, $0x2  }
0xb9: {  	s3 =	sand.u32 $0x4000, s31;
	s1 =	sadd.s32 s1, s30  }
0xba: {  	s0 =	sor.u32 s3, s0;
	s1 =	sshll.u32 s1, $0x11  }
0xbb: {  	s0 =	sor.u32 s1, s0  }
0xbc: {  	s0 =	sadd.s32 $0x8F2B, s0  }
0xbd: {  	[sflag:s0] =	ssyncadd.remote.s32 $0x1  }
0xbe: {  	_ =	sfence.sel $0xFFFF  }
0xbf: {  	[dreg:$0x0] =	wrdreg $0xFFFFFFFF;
	(pc) =	sbr.abs _section_cstart, $3  }
0xc0: {  	[dreg:$0x1] =	wrdreg $0xFFFFFFFF  }
0xc1: {  	_ =	task.clear_ibuf [dreg:s7], $0x2FFFF;
	_ =	strace $0x9FFFFFFF  }
0xc2: {  	(tm) =	ssettm $0x7FFFFFFF  }
0xc3: {  	_ =	shalt  }
tec
execute0_lowered:
.L_overlay_start_1:
0x0: {  	(tag) =	ssettag $0x1  }
0x1: {  	s0 =	rddreg [dreg:$0x0]  }
0x2: {  	s2 =	rddreg [dreg:$0x1]  }
0x3: {  	s1 =	srdreg.scid;
	s4 =	stileid.u32  }
0x4: {  	s3 =	simm.s32 $0x0;
	s16 =	simm.s32 $0x7;
	s17 =	simm.s32 $0xC8  }
0x5: {  	s18 =	simm.s32 $0x190;
	s19 =	simm.s32 $0x258;
	s20 =	simm.s32 $0x1  }
0x6: {  	s23 =	simm.s32 $0x3;
	s28 =	simm.s32 $0xCB20;
	s29 =	simm.s32 $0x4  }
0x7: {  	s30 =	simm.s32 $0x12F20;
	s31 =	simm.s32 $0x5;
	s1 =	sand.u32 $0x1, s1  }
0x8: {  	s4 =	sshll.u32 s4, $0x8;
	[smem:$0x7FF] =	sst s3;
	s6 =	sadd.s32 $0xF43000, s0  }
0x9: {  	s5 =	sshll.u32 s1, $0x7;
	_ =	strace $0x80000047;
	s1 =	ssub.s32 $0x2, s1  }
0xa: {  	s4 =	sor.u32 s5, s4;
	s5 =	sadd.s32 $0xC00, s0;
	s0 =	sadd.s32 $0x19C00, s0  }
0xb: {  	s8 =	sshrl.u32 s1, $0x1;
	s7 =	smul.u32 $0x19, s4;
	[dreg:$0x3] =	wrdreg s0  }
0xc: {  	s24 =	ssub.s32 s1, s8;
	s12 =	sor.u32 $0x4, s4;
	s13 =	sor.u32 $0x6, s4  }
0xd: {  	s0 =	simm.s32 $0x6;
	s1 =	simm.s32 $0x0;
	s8 =	sadd.s32 s5, s7  }
0xe: {  	s14 =	smax.u32 s24, $0x1;
	s24 =	simm.s32 $0x2;
	s25 =	sadd.s32 $0x19, s8  }
0xf: {  	s26 =	sadd.s32 $0x32, s8;
	s11 =	sadd.s32 $0x4B, s8;
	[dreg:$0x4] =	wrdreg s25  }
0x10: {  	[dreg:$0x5] =	wrdreg s26;
	s25 =	simm.s32 $0x6720;
	s26 =	simm.s32 $0x9920  }
.LBB2_1:
0x11: {  	s7 =	rddreg [dreg:$0x3];
	s9 =	simm.s32 $0x19320  }
0x12: {  	[tilespmem:s9], [sflag:$0x7] =	stream.linear.gather [hbm4b:s7+s3], $0x3200, $0x38;
	[tilespmem:$0x1C520] =	vst v63  }
0x13: {  	_ =	swait.ge [sflag:s16], $0x3200  }
0x14: {  	[sflag:s16] =	ssyncset.done $0x0  }
0x15: {  	[sflag:s16] =	ssyncadd.s32 $0xFFFFCE00  }
0x16: {  	[tilespmem:s3], [sflag:$0x1] =	stream.linear.gather [hbm4b:s8+s3], $0xC8, $0x38;
	[tilespmem:$0x1C520] =	vst v63  }
0x17: {  	s10 =	rddreg [dreg:$0x4]  }
0x18: {  	[tilespmem:s17], [sflag:$0x1] =	stream.linear.gather [hbm4b:s10+s3], $0xC8, $0x38;
	[tilespmem:$0x1C520] =	vst v63  }
0x19: {  	s15 =	rddreg [dreg:$0x5]  }
0x1a: {  	[tilespmem:s18], [sflag:$0x2] =	stream.linear.gather [hbm4b:s15+s3], $0xC8, $0x38;
	[tilespmem:$0x1C520] =	vst v63  }
0x1b: {  	_ = 	snop  }
0x1c: {  	[tilespmem:s19], [sflag:$0x2] =	stream.linear.gather [hbm4b:s11+s3], $0xC8, $0x38;
	[tilespmem:$0x1C520] =	vst v63  }
0x1d: {  	_ =	swait.ge [sflag:s20], $0xC8  }
0x1e: {  	[sflag:s20] =	ssyncset.done $0x0  }
0x1f: {  	[sflag:s20] =	ssyncadd.s32 $0xFFFFFF38  }
0x20: {  	_ =	swait.ge [sflag:s20], $0xC8  }
0x21: {  	[sflag:s20] =	ssyncset.done $0x0  }
0x22: {  	s21 =	simm.s32 $0x320;
	[sflag:s20] =	ssyncadd.s32 $0xFFFFFF38  }
0x23: {  	[tilespmem:s21], [sflag:$0x3] =	stream.indirect.gather [hbm4b:s6+s17], $0x40, s3, s17, $0xb8;
	[tilespmem:$0x1C520] =	vst v63  }
0x24: {  	s22 =	simm.s32 $0x3520;
	s15 =	simm.s32 $0x0  }
0x25: {  	[tilespmem:s22], [sflag:$0x3] =	stream.indirect.gather [hbm4b:s6+s17], $0x40, s17, s17, $0xb8;
	[tilespmem:$0x1C520] =	vst v63  }
.LBB2_2:
0x26: {  	s22 =	sshll.u32 s15, $0x2;
	p0 =	seq.s32 s15, $0x1F  }
0x27: {  	_ =	swait.ge [sflag:s23], $0x3200;
	s7 =	sadd.s32 @!p0 s22, s12  }
0x28: {  	[sflag:s23] =	ssyncset.done $0x0;
	s9 =	smul.u32 @!p0 $0x19, s7  }
0x29: {  	[sflag:s23] =	ssyncadd.s32 $0xFFFFCE00;
	s7 =	smul.u32 @!p0 $0xC8, s7  }
0x2a: {  	_ =	swait.ge [sflag:s23], $0x3200  }
0x2b: {  	s10 =	simm.s32 @!p0 $0x0;
	[sflag:s23] =	ssyncset.done $0x0;
	s7 =	sadd.s32 @!p0 $0xC8, s7  }
0x2c: {  	s9 =	sadd.s32 @!p0 s5, s9;
	[sflag:s23] =	ssyncadd.s32 $0xFFFFCE00;
	s7 =	sshrl.u32 @!p0 s7, $0x3  }
0x2d: {  	[tilespmem:s10], [sflag:$0x1] =	stream.linear.gather @!p0 [hbm4b:s9+s10], $0xC8, $0x38;
	[tilespmem:$0x1C520] =	vst v63  }
0x2e: {  	s7 =	sadd.s32 @!p0 s5, s7;
	s9 =	simm.s32 @!p0 $0xC8  }
0x2f: {  	[tilespmem:s9], [sflag:$0x1] =	stream.linear.gather @!p0 [hbm4b:s7+s10], $0xC8, $0x38;
	[tilespmem:$0x1C520] =	vst v63  }
0x30: {  	_ =	swait.ge [sflag:s24], $0xC8  }
0x31: {  	[sflag:s24] =	ssyncset.done $0x0  }
0x32: {  	[sflag:s24] =	ssyncadd.s32 $0xFFFFFF38  }
0x33: {  	_ =	swait.ge [sflag:s24], $0xC8  }
0x34: {  	[sflag:s24] =	ssyncset.done $0x0  }
0x35: {  	p1 =	seq.s32 s15, $0x0;
	[sflag:s24] =	ssyncadd.s32 $0xFFFFFF38  }
0x36: {  	[tilespmem:s25], [sflag:$0x4] =	stream.indirect.gather [hbm4b:s6+s17], $0x40, s18, s17, $0xb8;
	[tilespmem:$0x1C520] =	vst v63  }
0x37: {  	s7 =	simm.s32 @!p1 $0x5  }
0x38: {  	[tilespmem:s26], [sflag:$0x4] =	stream.indirect.gather [hbm4b:s6+s17], $0x40, s19, s17, $0xb8;
	[tilespmem:$0x1C520] =	vst v63  }
0x39: {  	_ =	swait.ge @!p1 [sflag:s7], $0x6400  }
0x3a: {  	[sflag:s7] =	ssyncset.done @!p1 $0x0  }
0x3b: {  	[sflag:s7] =	ssyncadd.s32 @!p1 $0xFFFF9C00;
	s7 =	simm.s32 $0x0  }
0x3c: {  	v1 =	vld [tilespmem:s7+$0x3550]  }
0x3d: {  	v3 =	vld [tilespmem:s7+$0x320]  }
0x3e: {  	v0 =	vld [tilespmem:s7+$0x19350]  }
0x3f: {  	v4 =	vld [tilespmem:s7+$0x3520]  }
0x40: {  	v6 =	vld [tilespmem:s7+$0x330]  }
0x41: {  	v9 =	vld [tilespmem:s7+$0x3530]  }
0x42: {  	v10 =	vld [tilespmem:s7+$0x340];
	v1 =	vmul.f32 $8.000000000e+00, v1  }
0x43: {  	v2 =	vld [tilespmem:s7+$0x3540]  }
0x44: {  	v5 =	vadd.f32 v1, v0;
	v1 =	vld [tilespmem:s7+$0x350]  }
0x45: {  	v8 =	vld [tilespmem:s7+$0x19320];
	v3 =	vmul.f32 $8.000000000e+00, v3  }
0x46: {  	v7 =	vmul.f32 $8.000000000e+00, v6;
	v6 =	vld [tilespmem:s7+$0x19330];
	v9 =	vmul.f32 $8.000000000e+00, v9  }
0x47: {  	s21 =	sor.u32 $0x2, s22;
	s9 =	simm.s32 $0x40;
	s10 =	simm.s32 $0x200;
	v10 =	vmul.f32 $8.000000000e+00, v10;
	[tilespmem:s7+$0xFD50] =	vst v5;
	v5 =	vmul.f32 $8.000000000e+00, v4;
	v4 =	vld [tilespmem:s7+$0x19340]  }
.LBB2_3:
0x48: {  	p1 =	sne.s32 s10, $0xC700;
	v11 =	vld [tilespmem:s9+$0x3550];
	v2 =	vmul.f32 $8.000000000e+00, v2  }
0x49: {  	v12 =	vld [tilespmem:s9+$0x320];
	v1 =	vmul.f32 $8.000000000e+00, v1  }
0x4a: {  	v13 =	vld [tilespmem:s9+$0x19350];
	v3 =	vadd.f32 v3, v8;
	v5 =	vadd.f32 v5, v8  }
0x4b: {  	v8 =	vld [tilespmem:s9+$0x3520];
	v7 =	vadd.f32 v7, v6;
	v6 =	vadd.f32 v9, v6  }
0x4c: {  	v9 =	vld [tilespmem:s9+$0x330];
	[tilespmem:s7+$0xCB20] =	vst v3;
	v10 =	vadd.f32 v10, v4;
	v4 =	vadd.f32 v2, v4  }
0x4d: {  	v15 =	vadd.f32 v1, v0;
	v14 =	vld [tilespmem:s9+$0x3530];
	v11 =	vmul.f32 $8.000000000e+00, v11;
	[tilespmem:s7+$0xFD20] =	vst v5  }
0x4e: {  	v3 =	vmul.f32 $8.000000000e+00, v12;
	v12 =	vld [tilespmem:s9+$0x340];
	[tilespmem:s7+$0xCB30] =	vst v7  }
.Ltmp0:
0x4f: {  	v2 =	vld [tilespmem:s9+$0x3540];
	v11 =	vadd.f32 v11, v13;
	[tilespmem:s7+$0xFD30] =	vst v6;
	v0 =	vmov v13;
	(pc) =	sbr.rel @p1 .LBB2_3-.Ltmp0, $4  }
0x50: {  	v5 =	vmul.f32 $8.000000000e+00, v8;
	v1 =	vld [tilespmem:s9+$0x350];
	[tilespmem:s7+$0xCB40] =	vst v10  }
0x51: {  	v8 =	vld [tilespmem:s9+$0x19320];
	v7 =	vmul.f32 $8.000000000e+00, v9;
	[tilespmem:s9+$0xFD50] =	vst v11  }
0x52: {  	v6 =	vld [tilespmem:s9+$0x19330];
	v9 =	vmul.f32 $8.000000000e+00, v14;
	[tilespmem:s7+$0xFD40] =	vst v4  }
0x53: {  	v4 =	vld [tilespmem:s9+$0x19340];
	v10 =	vmul.f32 $8.000000000e+00, v12;
	[tilespmem:s7+$0xCB50] =	vst v15;
	s7 =	smov.u32 s9;
	s9 =	sshra.s32 s10, $0x2;
	s10 =	sadd.s32 $0x100, s10  }
0x54: {  	v11 =	vld [tilespmem:s9+$0x3550]  }
0x55: {  	v12 =	vld [tilespmem:s9+$0x320]  }
0x56: {  	v13 =	vld [tilespmem:s9+$0x19350];
	v3 =	vadd.f32 v3, v8  }
0x57: {  	v14 =	vld [tilespmem:s9+$0x3520];
	v5 =	vadd.f32 v5, v8  }
0x58: {  	v15 =	vld [tilespmem:s9+$0x330];
	v7 =	vadd.f32 v7, v6;
	[tilespmem:s7+$0xCB20] =	vst v3  }
0x59: {  	v6 =	vadd.f32 v9, v6;
	v3 =	vld [tilespmem:s9+$0x3530];
	[tilespmem:s7+$0xFD20] =	vst v5  }
0x5a: {  	v8 =	vadd.f32 v10, v4;
	v5 =	vld [tilespmem:s9+$0x340];
	[tilespmem:s7+$0xCB30] =	vst v7  }
0x5b: {  	v9 =	vmul.f32 $8.000000000e+00, v11;
	v7 =	vld [tilespmem:s9+$0x3540];
	[tilespmem:s7+$0xFD30] =	vst v6  }
0x5c: {  	v2 =	vmul.f32 $8.000000000e+00, v2;
	v6 =	vld [tilespmem:s9+$0x350];
	[tilespmem:s7+$0xCB40] =	vst v8  }
0x5d: {  	v9 =	vadd.f32 v9, v13;
	v8 =	vld [tilespmem:s9+$0x19320]  }
0x5e: {  	v2 =	vadd.f32 v2, v4  }
0x5f: {  	v1 =	vmul.f32 $8.000000000e+00, v1;
	[tilespmem:s9+$0xFD50] =	vst v9;
	v4 =	vld [tilespmem:s9+$0x19330]  }
0x60: {  	v9 =	vmul.f32 $8.000000000e+00, v12;
	[tilespmem:s7+$0xFD40] =	vst v2  }
0x61: {  	v0 =	vadd.f32 v1, v0;
	v1 =	vmul.f32 $8.000000000e+00, v14;
	v2 =	vld [tilespmem:s9+$0x19340]  }
0x62: {  	v10 =	vmul.f32 $8.000000000e+00, v15;
	v9 =	vadd.f32 v9, v8  }
0x63: {  	v3 =	vmul.f32 $8.000000000e+00, v3;
	[tilespmem:s7+$0xCB50] =	vst v0;
	v0 =	vadd.f32 v1, v8  }
0x64: {  	v1 =	vmul.f32 $8.000000000e+00, v5;
	v5 =	vadd.f32 v10, v4;
	[tilespmem:s9+$0xCB20] =	vst v9  }
0x65: {  	v7 =	vmul.f32 $8.000000000e+00, v7;
	v3 =	vadd.f32 v3, v4;
	[tilespmem:s9+$0xFD20] =	vst v0  }
0x66: {  	v0 =	vmul.f32 $8.000000000e+00, v6;
	v1 =	vadd.f32 v1, v2;
	[tilespmem:s9+$0xCB30] =	vst v5  }
0x67: {  	s10 =	sadd.s32 s4, s22;
	v2 =	vadd.f32 v7, v2;
	[tilespmem:s9+$0xFD30] =	vst v3  }
0x68: {  	s7 =	smul.u32 $0x640, s10;
	v0 =	vadd.f32 v0, v13;
	[tilespmem:s9+$0xCB40] =	vst v1  }
0x69: {  	[tilespmem:s9+$0xFD40] =	vst v2  }
0x6a: {  	s7 =	sadd.s32 s2, s7;
	[tilespmem:s9+$0xCB50] =	vst v0  }
0x6b: {  	[hbm4b:s7+s3] =	stream.linear.scatter [tilespmem:s28], [sflag:$0x5], $0x6400, $0x38;
	[tilespmem:$0x1C520] =	vst v63  }
0x6c: {  	s7 =	sadd.s32 @!p0 s22, s13;
	_ =	swait.ge [sflag:s29], $0x3200  }
0x6d: {  	s9 =	smul.u32 @!p0 $0x19, s7;
	[sflag:s29] =	ssyncset.done $0x0  }
0x6e: {  	s7 =	smul.u32 @!p0 $0xC8, s7;
	[sflag:s29] =	ssyncadd.s32 $0xFFFFCE00  }
0x6f: {  	s10 =	simm.s32 @!p0 $0x0;
	_ =	swait.ge [sflag:s29], $0x3200  }
0x70: {  	s22 =	simm.s32 @!p0 $0x190;
	s7 =	sadd.s32 @!p0 $0xC8, s7;
	[sflag:s29] =	ssyncset.done $0x0  }
0x71: {  	s9 =	sadd.s32 @!p0 s5, s9;
	s7 =	sshrl.u32 @!p0 s7, $0x3;
	[sflag:s29] =	ssyncadd.s32 $0xFFFFCE00  }
0x72: {  	[tilespmem:s22], [sflag:$0x2] =	stream.linear.gather @!p0 [hbm4b:s9+s10], $0xC8, $0x38;
	[tilespmem:$0x1C520] =	vst v63  }
0x73: {  	s7 =	sadd.s32 @!p0 s5, s7;
	s9 =	simm.s32 @!p0 $0x258  }
0x74: {  	[tilespmem:s9], [sflag:$0x2] =	stream.linear.gather @!p0 [hbm4b:s7+s10], $0xC8, $0x38;
	[tilespmem:$0x1C520] =	vst v63  }
0x75: {  	s7 =	simm.s32 @!p0 $0x1  }
0x76: {  	_ =	swait.ge @!p0 [sflag:s7], $0xC8  }
0x77: {  	[sflag:s7] =	ssyncset.done @!p0 $0x0  }
0x78: {  	[sflag:s7] =	ssyncadd.s32 @!p0 $0xFFFFFF38  }
0x79: {  	_ =	swait.ge @!p0 [sflag:s7], $0xC8  }
0x7a: {  	[sflag:s7] =	ssyncset.done @!p0 $0x0  }
0x7b: {  	s9 =	simm.s32 @!p0 $0x320;
	[sflag:s7] =	ssyncadd.s32 @!p0 $0xFFFFFF38;
	s7 =	simm.s32 @!p0 $0xC8  }
0x7c: {  	[tilespmem:s9], [sflag:$0x3] =	stream.indirect.gather @!p0 [hbm4b:s6+s7], $0x40, s10, s7, $0xb8;
	[tilespmem:$0x1C520] =	vst v63  }
0x7d: {  	p1 =	seq.s32 @!p0 s15, $0x0;
	s9 =	simm.s32 @!p0 $0x3520  }
0x7e: {  	[tilespmem:s9], [sflag:$0x3] =	stream.indirect.gather @!p0 [hbm4b:s6+s7], $0x40, s7, s7, $0xb8;
	[tilespmem:$0x1C520] =	vst v63  }
0x7f: {  	p0 =	por p0, !p1  }
0x80: {  	_ =	swait.ge @p0 [sflag:s0], $0x6400  }
0x81: {  	[sflag:s0] =	ssyncset.done @p0 $0x0  }
0x82: {  	s7 =	simm.s32 $0x0;
	[sflag:s0] =	ssyncadd.s32 @p0 $0xFFFF9C00  }
0x83: {  	v1 =	vld [tilespmem:s7+$0x9950]  }
0x84: {  	v3 =	vld [tilespmem:s7+$0x6720]  }
0x85: {  	v0 =	vld [tilespmem:s7+$0x19350]  }
0x86: {  	v5 =	vld [tilespmem:s7+$0x9920]  }
0x87: {  	v6 =	vld [tilespmem:s7+$0x6730]  }
0x88: {  	v9 =	vld [tilespmem:s7+$0x9930]  }
0x89: {  	v10 =	vld [tilespmem:s7+$0x6740];
	v1 =	vmul.f32 $8.000000000e+00, v1  }
0x8a: {  	v2 =	vld [tilespmem:s7+$0x9940]  }
0x8b: {  	v7 =	vadd.f32 v1, v0;
	v1 =	vld [tilespmem:s7+$0x6750]  }
0x8c: {  	v8 =	vld [tilespmem:s7+$0x19320];
	v4 =	vmul.f32 $8.000000000e+00, v3  }
0x8d: {  	v5 =	vmul.f32 $8.000000000e+00, v5;
	[tilespmem:s7+$0x16150] =	vst v7;
	v7 =	vmul.f32 $8.000000000e+00, v6;
	v6 =	vld [tilespmem:s7+$0x19330]  }
0x8e: {  	s10 =	simm.s32 $0x200;
	s9 =	simm.s32 $0x40;
	v9 =	vmul.f32 $8.000000000e+00, v9;
	v3 =	vld [tilespmem:s7+$0x19340];
	v10 =	vmul.f32 $8.000000000e+00, v10  }
.LBB2_5:
0x8f: {  	p0 =	sne.s32 s10, $0xC700;
	v11 =	vld [tilespmem:s9+$0x9950];
	v2 =	vmul.f32 $8.000000000e+00, v2  }
0x90: {  	v12 =	vld [tilespmem:s9+$0x6720];
	v1 =	vmul.f32 $8.000000000e+00, v1  }
0x91: {  	v13 =	vld [tilespmem:s9+$0x19350];
	v4 =	vadd.f32 v4, v8;
	v5 =	vadd.f32 v5, v8  }
0x92: {  	v8 =	vld [tilespmem:s9+$0x9920];
	v7 =	vadd.f32 v7, v6;
	v6 =	vadd.f32 v9, v6  }
0x93: {  	v9 =	vld [tilespmem:s9+$0x6730];
	[tilespmem:s7+$0x12F20] =	vst v4;
	v10 =	vadd.f32 v10, v3;
	v3 =	vadd.f32 v2, v3  }
0x94: {  	v15 =	vadd.f32 v1, v0;
	v14 =	vld [tilespmem:s9+$0x9930];
	v11 =	vmul.f32 $8.000000000e+00, v11;
	[tilespmem:s7+$0x16120] =	vst v5  }
0x95: {  	v4 =	vmul.f32 $8.000000000e+00, v12;
	v12 =	vld [tilespmem:s9+$0x6740];
	[tilespmem:s7+$0x12F30] =	vst v7  }
.Ltmp1:
0x96: {  	v2 =	vld [tilespmem:s9+$0x9940];
	v11 =	vadd.f32 v11, v13;
	[tilespmem:s7+$0x16130] =	vst v6;
	v0 =	vmov v13;
	(pc) =	sbr.rel @p0 .LBB2_5-.Ltmp1, $4  }
0x97: {  	v5 =	vmul.f32 $8.000000000e+00, v8;
	v1 =	vld [tilespmem:s9+$0x6750];
	[tilespmem:s7+$0x12F40] =	vst v10  }
0x98: {  	v8 =	vld [tilespmem:s9+$0x19320];
	v7 =	vmul.f32 $8.000000000e+00, v9;
	[tilespmem:s9+$0x16150] =	vst v11  }
0x99: {  	v6 =	vld [tilespmem:s9+$0x19330];
	v9 =	vmul.f32 $8.000000000e+00, v14;
	[tilespmem:s7+$0x16140] =	vst v3  }
0x9a: {  	v3 =	vld [tilespmem:s9+$0x19340];
	v10 =	vmul.f32 $8.000000000e+00, v12;
	[tilespmem:s7+$0x12F50] =	vst v15;
	s7 =	smov.u32 s9;
	s9 =	sshra.s32 s10, $0x2;
	s10 =	sadd.s32 $0x100, s10  }
0x9b: {  	v11 =	vld [tilespmem:s9+$0x9950]  }
0x9c: {  	v12 =	vld [tilespmem:s9+$0x6720]  }
0x9d: {  	v13 =	vld [tilespmem:s9+$0x19350];
	v4 =	vadd.f32 v4, v8  }
0x9e: {  	v14 =	vld [tilespmem:s9+$0x9920];
	v5 =	vadd.f32 v5, v8  }
0x9f: {  	v15 =	vld [tilespmem:s9+$0x6730];
	v7 =	vadd.f32 v7, v6;
	[tilespmem:s7+$0x12F20] =	vst v4  }
0xa0: {  	v53 =	vadd.f32 v9, v6;
	v4 =	vld [tilespmem:s9+$0x9930];
	[tilespmem:s7+$0x16120] =	vst v5  }
0xa1: {  	v54 =	vadd.f32 v10, v3;
	v5 =	vld [tilespmem:s9+$0x6740];
	[tilespmem:s7+$0x12F30] =	vst v7  }
0xa2: {  	v7 =	vld [tilespmem:s9+$0x9940];
	[tilespmem:s7+$0x16130] =	vst v53  }
0xa3: {  	v55 =	vmul.f32 $8.000000000e+00, v11;
	v6 =	vld [tilespmem:s9+$0x6750];
	[tilespmem:s7+$0x12F40] =	vst v54  }
0xa4: {  	v2 =	vmul.f32 $8.000000000e+00, v2;
	v8 =	vld [tilespmem:s9+$0x19320]  }
0xa5: {  	v9 =	vadd.f32 v55, v13  }
0xa6: {  	v1 =	vmul.f32 $8.000000000e+00, v1;
	v2 =	vadd.f32 v2, v3;
	v56 =	vld [tilespmem:s9+$0x19330]  }
0xa7: {  	v57 =	vmul.f32 $8.000000000e+00, v12;
	[tilespmem:s9+$0x16150] =	vst v9  }
0xa8: {  	v0 =	vadd.f32 v1, v0;
	v58 =	vmul.f32 $8.000000000e+00, v14;
	[tilespmem:s7+$0x16140] =	vst v2  }
0xa9: {  	v59 =	vmul.f32 $8.000000000e+00, v15;
	v2 =	vld [tilespmem:s9+$0x19340];
	v9 =	vadd.f32 v57, v8  }
0xaa: {  	v4 =	vmul.f32 $8.000000000e+00, v4;
	[tilespmem:s7+$0x12F50] =	vst v0;
	v60 =	vadd.f32 v58, v8  }
0xab: {  	v63 =	vmul.f32 $8.000000000e+00, v6;
	v62 =	vadd.f32 v59, v56;
	[tilespmem:s9+$0x12F20] =	vst v9  }
0xac: {  	s15 =	sadd.s32 $0x1, s15;
	v61 =	vmul.f32 $8.000000000e+00, v5;
	v3 =	vadd.f32 v4, v56;
	[tilespmem:s9+$0x16120] =	vst v60  }
0xad: {  	p0 =	sne.s32 s15, $0x20;
	v7 =	vmul.f32 $8.000000000e+00, v7;
	v0 =	vadd.f32 v63, v13;
	[tilespmem:s9+$0x12F30] =	vst v62  }
.Ltmp2:
0xae: {  	s22 =	sadd.s32 s4, s21;
	v1 =	vadd.f32 v61, v2;
	[tilespmem:s9+$0x16130] =	vst v3;
	(pc) =	sbr.rel @p0 .LBB2_2-.Ltmp2, $4  }
0xaf: {  	s7 =	smul.u32 $0x640, s22;
	v2 =	vadd.f32 v7, v2;
	[tilespmem:s9+$0x12F50] =	vst v0  }
0xb0: {  	[tilespmem:s9+$0x12F40] =	vst v1  }
0xb1: {  	s7 =	sadd.s32 s2, s7;
	[tilespmem:s9+$0x16140] =	vst v2  }
0xb2: {  	[hbm4b:s7+s3] =	stream.linear.scatter [tilespmem:s30], [sflag:$0x6], $0x6400, $0x38;
	[tilespmem:$0x1C520] =	vst v63  }
0xb3: {  	s1 =	sadd.s32 $0x1, s1  }
0xb4: {  	_ =	swait.ge [sflag:s31], $0x6400;
	p0 =	sne.s32 s1, s14  }
.Ltmp3:
0xb5: {  	[sflag:s31] =	ssyncset.done $0x0;
	(pc) =	sbr.rel @p0 .LBB2_1-.Ltmp3, $4  }
0xb6: {  	[sflag:s31] =	ssyncadd.s32 $0xFFFF9C00  }
0xb7: {  	_ =	swait.ge [sflag:s0], $0x6400  }
0xb8: {  	[sflag:s0] =	ssyncset.done $0x0  }
0xb9: {  	[sflag:s0] =	ssyncadd.s32 $0xFFFF9C00  }
0xba: {  	_ =	sfence.sel $0x180000  }
0xbb: {  	[bflag:$0x0] =	sbarrier.arrive $0xFFFF  }
0xbc: {  	_ =	strace $0x90000047  }
0xbd: {  	s0 =	stileid.u32;
	[bflag:$0x2] =	sbarrier.arrive $0xFFFF  }
0xbe: {  	p0 =	sne.s32 s0, $0x0;
	s0 =	rddreg [dreg:$0x2]  }
0xbf: {  	s0 =	sadd.s32 @!p0 $0x100000, s0  }
0xc0: {  	[sflag:s0] =	ssyncadd.tile.s32 @!p0 $0x1;
	_ =	shalt  }
.Lfunc_end2:
_tile_overlayer_lowered:
.L_overlay_start_2:
0xc1: {  	(tag) =	ssettag $0x2  }
0xc2: {  	s0 =	rddreg [dreg:$0x0];
	s2 =	stileid.u32  }
0xc3: {  	s1 =	rddreg [dreg:$0x1];
	p0 =	sne.s32 s2, $0x0  }
0xc4: {  	s3 =	rddreg [dreg:$0x2];
	[bflag:$0x3] =	sbarrier.arrive $0xFFFF;
	s2 =	simm.s32 @!p0 $0x1C07  }
0xc5: {  	[timem:s3], [sflag:s2] =	dma.local @!p0 [hbm:s0], s1  }
0xc6: {  	s0 =	simm.s32 @!p0 $0x7  }
0xc7: {  	_ =	swait.ge @!p0 [sflag:s0], s1  }
0xc8: {  	s1 =	ssub.s32 @!p0 $0x0, s1;
	[sflag:s0] =	ssyncset.done @!p0 $0x0  }
0xc9: {  	[sflag:s0] =	ssyncadd.s32 @!p0 s1  }
0xca: {  	[bflag:$0x3] =	sbarrier.arrive $0xFFFF  }
0xcb: {  	_ =	shalt  }

// kernel: sparse-core-data-format-call.cloned.1.call-start
scs
called_computation_lowered:
.L_overlay_start_0:
0x0: {  	s2 =	sld [smem:$0x3FD9]  }
0x1: {  	s3 =	sld [smem:$0x3FFE];
	_ =	sdelay $0x1  }
0x2: {  	s1 =	srdreg.scid  }
0x3: {  	s0 =	sand.u32 $0x1, s1  }
0x4: {  	s18 =	sshll.u32 s0, $0xA;
	s2 =	sadd.s32 s3, s2  }
0x5: {  	s2 =	sadd.s32 s2, s18  }
0x6: {  	[smem:$0x3FC5] =	sst s2  }
0x7: {  	_ = 	snop  }
0x8: {  	s2 =	sld [smem:$0x3FD0];
	(tm) =	ssettm $0x1  }
0x9: {  	s19 =	sld [smem:$0x3FFB];
	_ =	sdelay $0x3  }
0xa: {  	_ =	strace s19  }
0xb: {  	s3 =	sld [smem:$0x3FFC];
	_ =	sdelay $0x3  }
0xc: {  	_ =	strace s3  }
0xd: {  	s3 =	sld [smem:$0x3FFD];
	_ =	sdelay $0x3  }
0xe: {  	_ =	strace s3  }
0xf: {  	_ =	strace $0x8FFFFFFF  }
0x10: {  	s20 =	sld [smem:$0x3FDB];
	_ =	sdelay $0x1  }
0x11: {  	s4 =	simm.s32 $_scs_section_size  }
0x12: {  	s5 =	simm.s32 $_size__tile_overlayer_lowered;
	s6 =	simm.s32 $_tile_overlayer_lowered  }
0x13: {  	s23 =	simm.s32 $0x1BFF;
	s22 =	sshll.u32 s6, $0x1;
	s3 =	sadd.s32 s4, s20  }
0x14: {  	s7 =	simm.s32 $0x0;
	s21 =	sshll.u32 s5, $0x1;
	s5 =	sadd.s32 s22, s3  }
0x15: {  	[timem:s7], [sflag:s23] =	dma.local [hbm:s5], s21  }
0x16: {  	_ =	swait.ge [sflag:s23], s21  }
0x17: {  	s4 =	ssub.s32 $0x0, s21;
	[sflag:s23] =	ssyncset.done $0x0  }
0x18: {  	[sflag:s23] =	ssyncadd.s32 s4;
	_ =	sdelay $0x1  }
0x19: {  	s24 =	simm.s32 $0x1B8B  }
0x1a: {  	_ =	swait.ge [sflag:s24], $0x1  }
0x1b: {  	[sflag:s24] =	ssyncset.done $0x0  }
0x1c: {  	s26 =	simm.s32 $0x1B8E;
	s25 =	sld [smem:$0x3FFE];
	[sflag:s24] =	ssyncadd.s32 $0xFFFFFFFF  }
0x1d: {  	s27 =	simm.s32 $execute0_lowered;
	[smem:$0x3FD2] =	sst s26  }
0x1e: {  	s5 =	sshll.u32 s27, $0x1;
	_ =	strace $0x80000049;
	[dreg:$0x1] =	wrdreg $0xFFFFFFFF  }
0x1f: {  	s28 =	simm.s32 $_size_execute0_lowered;
	s3 =	sadd.s32 s3, s5;
	[dreg:$0x0] =	wrdreg $0x0  }
0x20: {  	s5 =	sshll.u32 s28, $0x1;
	[dreg:$0x2] =	wrdreg s3  }
0x21: {  	[dreg:$0x3] =	wrdreg s5  }
0x22: {  	[dreg:$0x4] =	wrdreg $0xC0  }
0x23: {  	_ =	task [dreg:s7], $0x5FFFF  }
0x24: {  	[dreg:$0x1] =	wrdreg $0xFFFFFFFF  }
0x25: {  	[dreg:$0x0] =	wrdreg $0x60  }
0x26: {  	[dreg:$0x2] =	wrdreg s25  }
0x27: {  	[dreg:$0x3] =	wrdreg s2  }
0x28: {  	[dreg:$0x4] =	wrdreg $0x9  }
0x29: {  	_ =	task.clear_ibuf [dreg:s7], $0x5FFFF;
	_ =	strace $0x90000049  }
0x2a: {  	s29 =	simm.s32 $0x9;
	_ =	strace $0x8000004B  }
0x2b: {  	_ =	swait.ge [sflag:s29], $0x1  }
0x2c: {  	[sflag:s29] =	ssyncadd.s32 $0xFFFFFFFF  }
0x2d: {  	_ =	strace $0x9000004B  }
0x2e: {  	_ =	sfence  }
0x2f: {  	s30 =	sld [smem:$0x0];
	_ =	sdelay $0x2  }
0x30: {  	s31 =	sshll.u32 s1, $0xD;
	s1 =	sshrl.u32 s1, $0x2  }
0x31: {  	s3 =	sand.u32 $0x4000, s31;
	s1 =	sadd.s32 s1, s30  }
0x32: {  	s0 =	sor.u32 s3, s0;
	s1 =	sshll.u32 s1, $0x11  }
0x33: {  	s0 =	sor.u32 s1, s0  }
0x34: {  	s0 =	sadd.s32 $0x8F2B, s0  }
0x35: {  	[sflag:s0] =	ssyncadd.remote.s32 $0x1  }
0x36: {  	_ =	sfence.sel $0xFFFF  }
0x37: {  	[dreg:$0x0] =	wrdreg $0xFFFFFFFF;
	(pc) =	sbr.abs _section_cstart, $3  }
0x38: {  	[dreg:$0x1] =	wrdreg $0xFFFFFFFF  }
0x39: {  	_ =	task.clear_ibuf [dreg:s7], $0x2FFFF;
	_ =	strace $0x9FFFFFFF  }
0x3a: {  	(tm) =	ssettm $0x7FFFFFFF  }
0x3b: {  	_ =	shalt  }
tec
execute0_lowered:
.L_overlay_start_1:
0x0: {  	(tag) =	ssettag $0x1  }
0x1: {  	s0 =	srdreg.scid  }
0x2: {  	s1 =	sshll.u32 s0, $0x4  }
0x3: {  	s0 =	stileid.u32;
	s1 =	sand.u32 $0x10, s1  }
0x4: {  	s1 =	sor.u32 s0, s1  }
0x5: {  	s6 =	rddreg [dreg:$0x0];
	s4 =	simm.s32 $0x1;
	s2 =	sshll.u32 s1, $0x7  }
0x6: {  	s7 =	simm.s32 $0x2;
	s12 =	simm.s32 $0x0;
	s1 =	ssub.s32 $0x1000, s2  }
0x7: {  	s8 =	simm.s32 $0x8000;
	s13 =	simm.s32 $0x0;
	s3 =	sand.u32 $0xF80, s1  }
0x8: {  	s9 =	simm.s32 $0x0;
	s5 =	sshrl.u32 s1, $0xC;
	p0 =	sne.s32 s3, $0x0  }
.Ltmp0:
0x9: {  	s1 =	rddreg [dreg:$0x2];
	s4 =	simm.s32 @!p0 $0x0;
	(pc) =	sbr.rel .LBB1_1-.Ltmp0, $4  }
0xa: {  	s11 =	simm.s32 $0x0;
	s3 =	rddreg [dreg:$0x1];
	s5 =	sadd.s32 s4, s5  }
0xb: {  	_ =	strace $0x8000004A;
	s4 =	simm.s32 $0x1;
	s5 =	smul.u32 $0xC8, s5  }
0xc: {  	s6 =	sadd.s32 $0xC00, s6;
	s10 =	smov.u32 s2;
	[sflag:s4] =	ssyncpa.u1 $0x0  }
0xd: {  	p0 =	por $0x0, $0x0;
	[sflag:s7] =	ssyncpa.u1 $0x0;
	s7 =	sor.u32 $0x1, s5  }
.LBB1_4:
0xe: {  	s16 =	sshll.u32 s13, $0x3;
	s17 =	sand.u32 $0x78, s13  }
0xf: {  	s30 =	sand.u32 $0x7E00, s13;
	s12 =	sshll.u32 s12, $0xF;
	s16 =	sand.u32 $0xC00, s16  }
0x10: {  	[tilespmem:s15+$0x810 ss:$0x81] =	vst.msk $0xffff, v2;
	s31 =	sand.u32 $0x7, s13;
	s16 =	sor.u32 s17, s16;
	s17 =	sadd.s32 s3, s30  }
0x11: {  	[tilespmem:s15+$0x1020 ss:$0x81] =	vst.msk $0xffff, v0;
	s13 =	sshll.u32 s31, $0x12;
	s12 =	sadd.s32 s12, s17;
	s16 =	sshrl.u32 s16, $0x3  }
0x12: {  	[tilespmem:s15+$0x0 ss:$0x81] =	vst.msk $0xffff, v1;
	s13 =	sor.u32 $0x400, s13;
	s12 =	sadd.s32 s16, s12  }
0x13: {  	[hbm4b:s12+s13] =	stream.strided.scatter [tilespmem:s14], [sflag:$0x2], $0x2000, s8, s13, $0x20;
	[tilespmem:$0x8080] =	vst v63  }
.LBB1_5:
0x14: {  	s14 =	sadd.s32 $0x1, s9  }
0x15: {  	s12 =	sadd.s32 $0x1000, s10;
	s16 =	smov.u32 s10;
	p2 =	sgt.s32 s14, $0xC7  }
0x16: {  	s16 =	smov.u32 @p2 s12  }
0x17: {  	s14 =	simm.s32 @p2 $0x0;
	p2 =	sgt.s32 s16, $0xFFF  }
0x18: {  	s16 =	smov.u32 @p2 s2;
	p2 =	sne.s32 s11, s7  }
.Ltmp1:
0x19: {  	p1 =	slt.u32 s11, $0x2;
	(pc) =	sbr.rel @!p2 .LBB1_6-.Ltmp1, $4  }
0x1a: {  	s15 =	simm.s32 @!p1 $0x2  }
0x1b: {  	s13 =	smov.u32 s10;
	p0 =	por !p0, !p0;
	_ =	swait.ge @!p1 [sflag:s15], $0x2000  }
0x1c: {  	s12 =	smov.u32 s9;
	[sflag:s15] =	ssyncset.done @!p1 $0x0;
	s9 =	smov.u32 s14  }
0x1d: {  	s11 =	sadd.s32 $0x1, s11;
	[sflag:s15] =	ssyncadd.s32 @!p1 $0xFFFFE000;
	s10 =	smov.u32 s16  }
.LBB1_1:
0x1e: {  	p1 =	sge.u32 s11, s5  }
0x1f: {  	s14 =	sand.u32 @!p1 $0x1FFFFFF, s9  }
0x20: {  	s15 =	smulhi.u32 @!p1 $0x147AE15, s14;
	_ =	sdelay $0x1  }
0x21: {  	s15 =	smul.u32 @!p1 $0xC8, s15  }
0x22: {  	s16 =	sxor.u32 @!p1 $0xFFFFFFFF, s11;
	s17 =	smul.u32 @!p1 $0xC80, s10  }
0x23: {  	s31 =	sadd.s32 $0xFFFFFFFF, s11;
	s16 =	sshll.u32 @!p1 s16, $0xD;
	s14 =	ssub.s32 @!p1 s14, s15  }
0x24: {  	s15 =	sand.u32 @!p1 $0x2000, s16;
	s16 =	sadd.s32 @!p1 s6, s17;
	s14 =	sshll.u32 @!p1 s14, $0x4  }
0x25: {  	s17 =	simm.s32 @!p1 $0x6400;
	s14 =	sadd.s32 @!p1 s14, s16;
	s16 =	simm.s32 @!p1 $0x40  }
0x26: {  	[tilespmem:s15], [sflag:$0x1] =	stream.strided.gather @!p1 [hbm4b:s14+s16], $0x2000, s17, s16, $0x38;
	[tilespmem:$0x8080] =	vst v63  }
0x27: {  	p1 =	sge.u32 s31, s5  }
.Ltmp2:
0x28: {  	_ = 	snop;
	(pc) =	sbr.rel @p1 .LBB1_5-.Ltmp2, $1  }
0x29: {  	_ =	sdelay $0x3  }
0x2a: {  	s14 =	simm.s32 $0x1  }
0x2b: {  	_ =	swait.ge [sflag:s4], $0x2000;
	s14 =	simm.s32 @!p0 $0x0  }
0x2c: {  	[sflag:s4] =	ssyncset.done $0x0;
	s15 =	sshll.u32 s14, $0xD  }
0x2d: {  	[sflag:s4] =	ssyncadd.s32 $0xFFFFE000;
	s18 =	sor.u32 $0x20, s15  }
0x2e: {  	s14 =	smul.u32 $0x8100, s14;
	v3 =	vld [tilespmem:s18+$0x10]  }
0x2f: {  	s30 =	sand.u32 $0x1, s11;
	v2 =	vld [tilespmem:s18+$0xFFFFFFF0]  }
0x30: {  	s15 =	smul.u32 $0x8100, s30;
	s14 =	sshrl.u32 s14, $0x2;
	v0 =	vld [tilespmem:s18+$0x0]  }
0x31: {  	v1 =	vld [tilespmem:s18+$0xFFFFFFE0];
	s16 =	sor.u32 $0x4000, s14  }
0x32: {  	s31 =	sshrl.u32 s15, $0x2;
	s15 =	sadd.s32 $0x0, s16  }
0x33: {  	s17 =	simm.s32 $0x4;
	s18 =	sadd.s32 $0x40, s18;
	s14 =	sor.u32 $0x4000, s31;
	[tilespmem:s15+$0x1830 ss:$0x81] =	vst.msk $0xffff, v3  }
.LBB1_3:
0x34: {  	v3 =	vld [tilespmem:s18+$0x10];
	p1 =	sne.s32 s17, $0x1FC;
	[tilespmem:s15+$0x810 ss:$0x81] =	vst.msk $0xffff, v2;
	s19 =	smov.u32 s17;
	s17 =	sadd.s32 $0x4, s17  }
.Ltmp3:
0x35: {  	v2 =	vld [tilespmem:s18+$0xFFFFFFF0];
	[tilespmem:s15+$0x1020 ss:$0x81] =	vst.msk $0xffff, v0;
	(pc) =	sbr.rel @p1 .LBB1_3-.Ltmp3, $4  }
0x36: {  	v0 =	vld [tilespmem:s18+$0x0];
	[tilespmem:s15+$0x0 ss:$0x81] =	vst.msk $0xffff, v1  }
0x37: {  	s15 =	sshra.s32 s19, $0x2;
	v1 =	vld [tilespmem:s18+$0xFFFFFFE0]  }
0x38: {  	s15 =	sadd.s32 s15, s16  }
0x39: {  	s18 =	sadd.s32 $0x40, s18;
	[tilespmem:s15+$0x1830 ss:$0x81] =	vst.msk $0xffff, v3  }
.Ltmp4:
0x3a: {  	_ = 	snop;
	(pc) =	sbr.rel .LBB1_4-.Ltmp4, $1  }
0x3b: {  	_ =	sdelay $0x3  }
.LBB1_6:
0x3c: {  	_ =	sfence.sel $0x180000  }
0x3d: {  	s2 =	simm.s32 $0x1;
	[bflag:$0x0] =	sbarrier.arrive $0xFFFF  }
0x3e: {  	s31 =	simm.s32 $0x2;
	[sflag:s2] =	ssyncpa.u1 $0x1  }
0x3f: {  	[sflag:s31] =	ssyncpa.u1 $0x1  }
0x40: {  	p0 =	sne.s32 s0, $0x0;
	_ =	strace $0x9000004A  }
0x41: {  	s0 =	sadd.s32 @!p0 $0x100000, s1;
	[bflag:$0x2] =	sbarrier.arrive $0xFFFF  }
0x42: {  	[sflag:s0] =	ssyncadd.tile.s32 @!p0 $0x1;
	_ =	shalt  }
.Lfunc_end1:
_tile_overlayer_lowered:
.L_overlay_start_2:
0x43: {  	(tag) =	ssettag $0x2  }
0x44: {  	s0 =	rddreg [dreg:$0x0];
	s2 =	stileid.u32  }
0x45: {  	s1 =	rddreg [dreg:$0x1];
	p0 =	sne.s32 s2, $0x0  }
0x46: {  	s3 =	rddreg [dreg:$0x2];
	[bflag:$0x3] =	sbarrier.arrive $0xFFFF;
	s2 =	simm.s32 @!p0 $0x1C01  }
0x47: {  	[timem:s3], [sflag:s2] =	dma.local @!p0 [hbm:s0], s1  }
0x48: {  	s0 =	simm.s32 @!p0 $0x1  }
0x49: {  	_ =	swait.ge @!p0 [sflag:s0], s1  }
0x4a: {  	s1 =	ssub.s32 @!p0 $0x0, s1;
	[sflag:s0] =	ssyncset.done @!p0 $0x0  }
0x4b: {  	[sflag:s0] =	ssyncadd.s32 @!p0 s1  }
0x4c: {  	[bflag:$0x3] =	sbarrier.arrive $0xFFFF  }
0x4d: {  	_ =	shalt  }

</sc_bundles>
